<compile_context>
chip_gen: v7x
topology: tpu7x:2x2x1
jax: 0.10.2.dev20260603
libtpu: 0.0.44.dev20260713+nightly
codegen_flags: <defaults>
</compile_context>

<pallas_src>
import functools
import jax
import jax.numpy as jnp
from jax import lax
from jax.experimental import pallas as pl
from jax.experimental.pallas import tpu as pltpu
from jax.experimental.pallas import tpu_sc as plsc

_NC = 2
_NS = 16
_NW = _NC * _NS
_RU = 5


def kernel(daytime, W_day, W_time, W_node):
    B, L, _ = daytime.shape
    N, NODE = W_node.shape
    DS = W_day.shape[1]
    TS = W_time.shape[1]
    E = NODE + DS + TS
    P = B * L
    PPW = P // _NW

    day_idx = daytime[..., 0].reshape(_NW, PPW)
    time_idx = daytime[..., 1].reshape(_NW, PPW)
    W_day_p = jnp.pad(W_day, ((0, 0), (0, 128 - DS)))
    W_time_p = jnp.pad(W_time, ((0, 0), (0, 128 - TS)))
    W_node_p = jnp.pad(W_node, ((0, 0), (0, E - NODE)))

    mesh = plsc.VectorSubcoreMesh(core_axis_name="c", subcore_axis_name="s")

    @functools.partial(
        pl.kernel,
        mesh=mesh,
        out_type=jax.ShapeDtypeStruct((B, L, N, E), jnp.float32),
        scratch_types=[
            pltpu.VMEM((PPW,), jnp.int32),
            pltpu.VMEM((PPW,), jnp.int32),
            pltpu.VMEM((PPW, 128), jnp.float32),
            pltpu.VMEM((PPW, 128), jnp.float32),
            pltpu.VMEM((N, E), jnp.float32),
            pltpu.VMEM((N, E), jnp.float32),
            pltpu.SemaphoreType.DMA,
            pltpu.SemaphoreType.DMA,
            pltpu.SemaphoreType.DMA,
        ],
    )
    def sc_k(dayi_hbm, timei_hbm, wday_hbm, wtime_hbm, wnode_hbm, out_hbm,
             dayi_v, timei_v, dayrows_v, timerows_v, tile0, tile1,
             sem0, sem1, gsem):
        wid = lax.axis_index("s") * _NC + lax.axis_index("c")
        base = wid * PPW
        pltpu.sync_copy(dayi_hbm.at[wid], dayi_v)
        pltpu.sync_copy(timei_hbm.at[wid], timei_v)
        n0 = pltpu.async_copy(wnode_hbm, tile0, sem0)
        n1 = pltpu.async_copy(wnode_hbm, tile1, sem1)
        gd = pltpu.async_copy(wday_hbm.at[dayi_v], dayrows_v, gsem)
        gt = pltpu.async_copy(wtime_hbm.at[timei_v], timerows_v, gsem)
        gd.wait()
        gt.wait()
        n0.wait()
        n1.wait()

        def build(tile_v, j):
            d0 = dayrows_v[j, 0:16]
            d1 = dayrows_v[j, 16:32]
            t0 = timerows_v[j, 0:16]
            t1 = timerows_v[j, 16:32]

            def row_body(i, c):
                r = i * _RU
                for k in range(_RU):
                    tile_v[r + k, NODE:NODE + 16] = d0
                    tile_v[r + k, NODE + 16:NODE + 32] = d1
                    tile_v[r + k, NODE + 32:NODE + 48] = t0
                    tile_v[r + k, NODE + 48:NODE + 64] = t1
                return c

            lax.fori_loop(0, N // _RU, row_body, 0)

        def fire(tile_v, sem, j):
            k = base + j
            bi = k // L
            li = k - bi * L
            pltpu.async_copy(tile_v, out_hbm.at[bi, li], sem)

        def drain(tile_v, sem):
            pltpu.make_async_copy(tile_v, out_hbm.at[0, 0], sem).wait()

        def body(i, carry):
            j0 = 2 * i

            @pl.when(i > 0)
            def _():
                drain(tile0, sem0)

            build(tile0, j0)
            fire(tile0, sem0, j0)

            @pl.when(i > 0)
            def _():
                drain(tile1, sem1)

            build(tile1, j0 + 1)
            fire(tile1, sem1, j0 + 1)
            return carry

        lax.fori_loop(0, PPW // 2, body, 0)
        drain(tile0, sem0)
        drain(tile1, sem1)

    return sc_k(day_idx, time_idx, W_day_p, W_time_p, W_node_p)

# --- scband reference (transcript-rebuilt; emitter-appended) ---
"""Pipeline reference for scband-stembedding-4750233829665 (READ-ONLY COPY).

The authoritative reference and input builder live on the scoring server;
editing this copy changes nothing except your own understanding.
"""

import jax, jax.numpy as jnp
import numpy as np

NODE_COUNT = 325
NODE_SIZE = 64
DAY_COUNT = 7
DAY_SIZE = 32
TIME_COUNT = 288
TIME_SIZE = 32
BATCH = 64
LEN_SEQ = 12


def setup_inputs(seed: int = 0) -> dict:
    key = jax.random.key(seed)
    k1, k2, k3, k4 = jax.random.split(key, 4)
    daytime = jax.random.randint(k1, (BATCH, LEN_SEQ, 2), 0, 7, dtype=jnp.int32)
    W_day = jax.random.normal(k2, (DAY_COUNT, DAY_SIZE), dtype=jnp.float32)
    W_time = jax.random.normal(k3, (TIME_COUNT, TIME_SIZE), dtype=jnp.float32)
    W_node = jax.random.normal(k4, (NODE_COUNT, NODE_SIZE), dtype=jnp.float32)
    return {"daytime": daytime, "W_day": W_day, "W_time": W_time, "W_node": W_node}


def reference(daytime, W_day, W_time, W_node):
    batch, len_seq, _ = daytime.shape
    # embedding lookups (gather)
    embedded_day = jnp.take(W_day, daytime[..., 0], axis=0)          # (B, L, DAY_SIZE)
    embedded_day = jnp.broadcast_to(
        embedded_day[:, :, None, :], (batch, len_seq, NODE_COUNT, DAY_SIZE))
    embedded_time = jnp.take(W_time, daytime[..., 1], axis=0)        # (B, L, TIME_SIZE)
    embedded_time = jnp.broadcast_to(
        embedded_time[:, :, None, :], (batch, len_seq, NODE_COUNT, TIME_SIZE))
    node_idx = jnp.arange(NODE_COUNT)
    embedded_node = jnp.take(W_node, node_idx, axis=0)               # (NODE_COUNT, NODE_SIZE)
    embedded_node = jnp.broadcast_to(
        embedded_node[None, None, :, :], (batch, len_seq, NODE_COUNT, NODE_SIZE))
    embedded = jnp.concatenate((embedded_node, embedded_day, embedded_time), axis=-1)
    # dropout p=0 -> identity
    return embedded

if __name__ == "__main__":
    import jax
    _d = setup_inputs()
    print(jax.jit(kernel)(*tuple(_d.values())))

</pallas_src>

<mosaic_0001>
#map = affine_map<(d0, d1) -> (0, 0)>
#map1 = affine_map<(d0, d1) -> (0, 0, 0, 0)>
module attributes {stable_mosaic.version = 14 : i64} {
  func.func @sc_k(%arg0: i32, %arg1: i32, %arg2: memref<32x24xi32, #tpu.memory_space<hbm>>, %arg3: memref<32x24xi32, #tpu.memory_space<hbm>>, %arg4: memref<7x128xf32, #tpu.memory_space<hbm>>, %arg5: memref<288x128xf32, #tpu.memory_space<hbm>>, %arg6: memref<325x128xf32, #tpu.memory_space<hbm>>, %arg7: memref<64x12x325x128xf32, #tpu.memory_space<hbm>>, %arg8: memref<24xi32, #tpu.memory_space<vmem>>, %arg9: memref<24xi32, #tpu.memory_space<vmem>>, %arg10: memref<24x128xf32, #tpu.memory_space<vmem>>, %arg11: memref<24x128xf32, #tpu.memory_space<vmem>>, %arg12: memref<325x128xf32, #tpu.memory_space<vmem>>, %arg13: memref<325x128xf32, #tpu.memory_space<vmem>>, %arg14: memref<!tpu.dma_semaphore, #tpu.memory_space<semaphore_mem>>, %arg15: memref<!tpu.dma_semaphore, #tpu.memory_space<semaphore_mem>>, %arg16: memref<!tpu.dma_semaphore, #tpu.memory_space<semaphore_mem>>) attributes {dimension_semantics = [#tpu.dimension_semantics<core_parallel>, #tpu.dimension_semantics<subcore_parallel>], iteration_bounds = array<i64: 2, 16>, scalar_prefetch = 0 : i64, scratch_operands = 9 : i64, tpu.core_type = #tpu.core_type<sc_vector_subcore>, window_params = [{transform_indices = #map}, {transform_indices = #map}, {transform_indices = #map}, {transform_indices = #map}, {transform_indices = #map}, {transform_indices = #map1}]} {
    %mul3A = arith.constant 2 : i32
    %mul3A_0 = arith.muli %arg1, %mul3A : i32
    %add3A = arith.addi %mul3A_0, %arg0 : i32
    %mul3A_1 = arith.constant 24 : i32
    %mul3A_2 = arith.muli %add3A, %mul3A_1 : i32
    "tpu.region"() ({
      %run_scoped3A = tpu.sem_alloc : memref<!tpu.dma_semaphore, #tpu.memory_space<semaphore_mem>>
      %dma_start3A_38 = arith.constant 0 : i32
      %dma_start3A_39 = tpu.memref_slice %arg2[%add3A, %dma_start3A_38] : memref<32x24xi32, #tpu.memory_space<hbm>> -> memref<1x24xi32, #tpu.memory_space<hbm>>
      %dma_start3A_40 = tpu.memref_squeeze %dma_start3A_39 : memref<1x24xi32, #tpu.memory_space<hbm>> -> memref<24xi32, #tpu.memory_space<hbm>>
      %dma_start3A_41 = arith.constant 0 : i32
      %dma_start3A_42 = tpu.memref_slice %arg2[%add3A, %dma_start3A_41] : memref<32x24xi32, #tpu.memory_space<hbm>> -> memref<1x24xi32, #tpu.memory_space<hbm>>
      %dma_start3A_43 = tpu.memref_squeeze %dma_start3A_42 : memref<1x24xi32, #tpu.memory_space<hbm>> -> memref<24xi32, #tpu.memory_space<hbm>>
      tpu.enqueue_dma source(%dma_start3A_43 : memref<24xi32, #tpu.memory_space<hbm>>) target(%arg8 : memref<24xi32, #tpu.memory_space<vmem>>) target_semaphore(%run_scoped3A : memref<!tpu.dma_semaphore, #tpu.memory_space<semaphore_mem>>)
      %dma_wait3A_44 = arith.constant 0 : i32
      %dma_wait3A_45 = tpu.memref_slice %arg2[%add3A, %dma_wait3A_44] : memref<32x24xi32, #tpu.memory_space<hbm>> -> memref<1x24xi32, #tpu.memory_space<hbm>>
      %dma_wait3A_46 = tpu.memref_squeeze %dma_wait3A_45 : memref<1x24xi32, #tpu.memory_space<hbm>> -> memref<24xi32, #tpu.memory_space<hbm>>
      %dma_wait3A_47 = arith.constant 0 : i32
      %dma_wait3A_48 = tpu.memref_slice %arg2[%add3A, %dma_wait3A_47] : memref<32x24xi32, #tpu.memory_space<hbm>> -> memref<1x24xi32, #tpu.memory_space<hbm>>
      %dma_wait3A_49 = tpu.memref_squeeze %dma_wait3A_48 : memref<1x24xi32, #tpu.memory_space<hbm>> -> memref<24xi32, #tpu.memory_space<hbm>>
      tpu.wait_dma2 semaphore(%run_scoped3A : memref<!tpu.dma_semaphore, #tpu.memory_space<semaphore_mem>>) src(%dma_wait3A_49 : memref<24xi32, #tpu.memory_space<hbm>>) dst(%arg8 : memref<24xi32, #tpu.memory_space<vmem>>)
      tpu.yield
    }) : () -> ()
    "tpu.region"() ({
      %run_scoped3A = tpu.sem_alloc : memref<!tpu.dma_semaphore, #tpu.memory_space<semaphore_mem>>
      %dma_start3A_38 = arith.constant 0 : i32
      %dma_start3A_39 = tpu.memref_slice %arg3[%add3A, %dma_start3A_38] : memref<32x24xi32, #tpu.memory_space<hbm>> -> memref<1x24xi32, #tpu.memory_space<hbm>>
      %dma_start3A_40 = tpu.memref_squeeze %dma_start3A_39 : memref<1x24xi32, #tpu.memory_space<hbm>> -> memref<24xi32, #tpu.memory_space<hbm>>
      %dma_start3A_41 = arith.constant 0 : i32
      %dma_start3A_42 = tpu.memref_slice %arg3[%add3A, %dma_start3A_41] : memref<32x24xi32, #tpu.memory_space<hbm>> -> memref<1x24xi32, #tpu.memory_space<hbm>>
      %dma_start3A_43 = tpu.memref_squeeze %dma_start3A_42 : memref<1x24xi32, #tpu.memory_space<hbm>> -> memref<24xi32, #tpu.memory_space<hbm>>
      tpu.enqueue_dma source(%dma_start3A_43 : memref<24xi32, #tpu.memory_space<hbm>>) target(%arg9 : memref<24xi32, #tpu.memory_space<vmem>>) target_semaphore(%run_scoped3A : memref<!tpu.dma_semaphore, #tpu.memory_space<semaphore_mem>>)
      %dma_wait3A_44 = arith.constant 0 : i32
      %dma_wait3A_45 = tpu.memref_slice %arg3[%add3A, %dma_wait3A_44] : memref<32x24xi32, #tpu.memory_space<hbm>> -> memref<1x24xi32, #tpu.memory_space<hbm>>
      %dma_wait3A_46 = tpu.memref_squeeze %dma_wait3A_45 : memref<1x24xi32, #tpu.memory_space<hbm>> -> memref<24xi32, #tpu.memory_space<hbm>>
      %dma_wait3A_47 = arith.constant 0 : i32
      %dma_wait3A_48 = tpu.memref_slice %arg3[%add3A, %dma_wait3A_47] : memref<32x24xi32, #tpu.memory_space<hbm>> -> memref<1x24xi32, #tpu.memory_space<hbm>>
      %dma_wait3A_49 = tpu.memref_squeeze %dma_wait3A_48 : memref<1x24xi32, #tpu.memory_space<hbm>> -> memref<24xi32, #tpu.memory_space<hbm>>
      tpu.wait_dma2 semaphore(%run_scoped3A : memref<!tpu.dma_semaphore, #tpu.memory_space<semaphore_mem>>) src(%dma_wait3A_49 : memref<24xi32, #tpu.memory_space<hbm>>) dst(%arg9 : memref<24xi32, #tpu.memory_space<vmem>>)
      tpu.yield
    }) : () -> ()
    tpu.enqueue_dma source(%arg6 : memref<325x128xf32, #tpu.memory_space<hbm>>) target(%arg12 : memref<325x128xf32, #tpu.memory_space<vmem>>) target_semaphore(%arg14 : memref<!tpu.dma_semaphore, #tpu.memory_space<semaphore_mem>>)
    tpu.enqueue_dma source(%arg6 : memref<325x128xf32, #tpu.memory_space<hbm>>) target(%arg13 : memref<325x128xf32, #tpu.memory_space<vmem>>) target_semaphore(%arg15 : memref<!tpu.dma_semaphore, #tpu.memory_space<semaphore_mem>>)
    %dma_start3A = arith.constant 0 : i32
    %dma_start3A_3 = arith.constant 0 : i32
    %dma_start3A_4 = tpu.memref_slice %arg4[%dma_start3A, %dma_start3A_3] : memref<7x128xf32, #tpu.memory_space<hbm>> -> memref<7x128xf32, #tpu.memory_space<hbm>>
    tpu.enqueue_indirect_dma source(%dma_start3A_4 : memref<7x128xf32, #tpu.memory_space<hbm>>) target(%arg10 : memref<24x128xf32, #tpu.memory_space<vmem>>) offsets(%arg8 : memref<24xi32, #tpu.memory_space<vmem>>) semaphore(%arg16 : memref<!tpu.dma_semaphore, #tpu.memory_space<semaphore_mem>>)
    %dma_start3A_5 = arith.constant 0 : i32
    %dma_start3A_6 = arith.constant 0 : i32
    %dma_start3A_7 = tpu.memref_slice %arg5[%dma_start3A_5, %dma_start3A_6] : memref<288x128xf32, #tpu.memory_space<hbm>> -> memref<288x128xf32, #tpu.memory_space<hbm>>
    tpu.enqueue_indirect_dma source(%dma_start3A_7 : memref<288x128xf32, #tpu.memory_space<hbm>>) target(%arg11 : memref<24x128xf32, #tpu.memory_space<vmem>>) offsets(%arg9 : memref<24xi32, #tpu.memory_space<vmem>>) semaphore(%arg16 : memref<!tpu.dma_semaphore, #tpu.memory_space<semaphore_mem>>)
    %dma_wait3A = arith.constant 0 : i32
    %dma_wait3A_8 = arith.constant 0 : i32
    %dma_wait3A_9 = tpu.memref_slice %arg4[%dma_wait3A, %dma_wait3A_8] : memref<7x128xf32, #tpu.memory_space<hbm>> -> memref<7x128xf32, #tpu.memory_space<hbm>>
    tpu.wait_indirect_dma semaphore(%arg16 : memref<!tpu.dma_semaphore, #tpu.memory_space<semaphore_mem>>) src(%dma_wait3A_9 : memref<7x128xf32, #tpu.memory_space<hbm>>) dst(%arg10 : memref<24x128xf32, #tpu.memory_space<vmem>>)
    %dma_wait3A_10 = arith.constant 0 : i32
    %dma_wait3A_11 = arith.constant 0 : i32
    %dma_wait3A_12 = tpu.memref_slice %arg5[%dma_wait3A_10, %dma_wait3A_11] : memref<288x128xf32, #tpu.memory_space<hbm>> -> memref<288x128xf32, #tpu.memory_space<hbm>>
    tpu.wait_indirect_dma semaphore(%arg16 : memref<!tpu.dma_semaphore, #tpu.memory_space<semaphore_mem>>) src(%dma_wait3A_12 : memref<288x128xf32, #tpu.memory_space<hbm>>) dst(%arg11 : memref<24x128xf32, #tpu.memory_space<vmem>>)
    tpu.wait_dma2 semaphore(%arg14 : memref<!tpu.dma_semaphore, #tpu.memory_space<semaphore_mem>>) src(%arg6 : memref<325x128xf32, #tpu.memory_space<hbm>>) dst(%arg12 : memref<325x128xf32, #tpu.memory_space<vmem>>)
    tpu.wait_dma2 semaphore(%arg15 : memref<!tpu.dma_semaphore, #tpu.memory_space<semaphore_mem>>) src(%arg6 : memref<325x128xf32, #tpu.memory_space<hbm>>) dst(%arg13 : memref<325x128xf32, #tpu.memory_space<vmem>>)
    %scan3A = arith.constant 0 : i32
    %scan3A_13 = arith.constant 0 : i32
    %scan3A_14 = arith.constant 12 : i32
    %scan3A_15 = arith.addi %scan3A_13, %scan3A_14 : i32
    %scan3A_16 = arith.constant 1 : i32
    scf.for %scan3A_38 = %scan3A_13 to %scan3A_15 step %scan3A_16  : i32 {
      %mul3A_39 = arith.constant 2 : i32
      %mul3A_40 = arith.muli %mul3A_39, %scan3A_38 : i32
      %gt3A = arith.constant 0 : i32
      %gt3A_41 = arith.cmpi sgt, %scan3A_38, %gt3A : i32
      %convert_element_type3A = arith.extui %gt3A_41 : i1 to i32
      %cond3A = arith.constant 0 : i32
      %cond3A_42 = arith.cmpi ne, %convert_element_type3A, %cond3A : i32
      scf.if %cond3A_42 {
        %dma_wait3A_159 = arith.constant 0 : i32
        %dma_wait3A_160 = arith.constant 0 : i32
        %dma_wait3A_161 = arith.constant 0 : i32
        %dma_wait3A_162 = arith.constant 0 : i32
        %dma_wait3A_163 = tpu.memref_slice %arg7[%dma_wait3A_159, %dma_wait3A_160, %dma_wait3A_161, %dma_wait3A_162] : memref<64x12x325x128xf32, #tpu.memory_space<hbm>> -> memref<1x1x325x128xf32, #tpu.memory_space<hbm>>
        %dma_wait3A_164 = tpu.memref_squeeze %dma_wait3A_163 : memref<1x1x325x128xf32, #tpu.memory_space<hbm>> -> memref<325x128xf32, #tpu.memory_space<hbm>>
        %dma_wait3A_165 = arith.constant 0 : i32
        %dma_wait3A_166 = arith.constant 0 : i32
        %dma_wait3A_167 = tpu.memref_slice %arg7[%dma_wait3A_159, %dma_wait3A_160, %dma_wait3A_165, %dma_wait3A_166] : memref<64x12x325x128xf32, #tpu.memory_space<hbm>> -> memref<1x1x325x128xf32, #tpu.memory_space<hbm>>
        %dma_wait3A_168 = tpu.memref_squeeze %dma_wait3A_167 : memref<1x1x325x128xf32, #tpu.memory_space<hbm>> -> memref<325x128xf32, #tpu.memory_space<hbm>>
        tpu.wait_dma2 semaphore(%arg14 : memref<!tpu.dma_semaphore, #tpu.memory_space<semaphore_mem>>) src(%arg12 : memref<325x128xf32, #tpu.memory_space<vmem>>) dst(%dma_wait3A_168 : memref<325x128xf32, #tpu.memory_space<hbm>>)
      } else {
      }
      %get3A = arith.index_cast %mul3A_40 : i32 to index
      %get3A_43 = arith.constant 0 : index
      %get3A_44 = tpu.vector_load %arg10[%get3A, %get3A_43] {strides = array<i32>} : memref<24x128xf32, #tpu.memory_space<vmem>>, vector<1x16xf32>,
      %get3A_45 = vector.shape_cast %get3A_44 : vector<1x16xf32> to vector<16xf32>
      %get3A_46 = arith.index_cast %mul3A_40 : i32 to index
      %get3A_47 = arith.constant 16 : index
      %get3A_48 = tpu.vector_load %arg10[%get3A_46, %get3A_47] {strides = array<i32>} : memref<24x128xf32, #tpu.memory_space<vmem>>, vector<1x16xf32>,
      %get3A_49 = vector.shape_cast %get3A_48 : vector<1x16xf32> to vector<16xf32>
      %get3A_50 = arith.index_cast %mul3A_40 : i32 to index
      %get3A_51 = arith.constant 0 : index
      %get3A_52 = tpu.vector_load %arg11[%get3A_50, %get3A_51] {strides = array<i32>} : memref<24x128xf32, #tpu.memory_space<vmem>>, vector<1x16xf32>,
      %get3A_53 = vector.shape_cast %get3A_52 : vector<1x16xf32> to vector<16xf32>
      %get3A_54 = arith.index_cast %mul3A_40 : i32 to index
      %get3A_55 = arith.constant 16 : index
      %get3A_56 = tpu.vector_load %arg11[%get3A_54, %get3A_55] {strides = array<i32>} : memref<24x128xf32, #tpu.memory_space<vmem>>, vector<1x16xf32>,
      %get3A_57 = vector.shape_cast %get3A_56 : vector<1x16xf32> to vector<16xf32>
      %scan3A_58 = arith.constant 0 : i32
      %scan3A_59 = arith.constant 0 : i32
      %scan3A_60 = arith.constant 65 : i32
      %scan3A_61 = arith.addi %scan3A_59, %scan3A_60 : i32
      %scan3A_62 = arith.constant 1 : i32
      scf.for %scan3A_159 = %scan3A_59 to %scan3A_61 step %scan3A_62  : i32 {
        %mul3A_160 = arith.constant 5 : i32
        %mul3A_161 = arith.muli %scan3A_159, %mul3A_160 : i32
        %add3A_162 = arith.constant 0 : i32
        %add3A_163 = arith.addi %mul3A_161, %add3A_162 : i32
        %swap3A = arith.index_cast %add3A_163 : i32 to index
        %swap3A_164 = arith.constant 64 : index
        %swap3A_165 = tpu.vector_load %arg12[%swap3A, %swap3A_164] {strides = array<i32>} : memref<325x128xf32, #tpu.memory_space<vmem>>, vector<1x16xf32>,
        %swap3A_166 = vector.shape_cast %swap3A_165 : vector<1x16xf32> to vector<16xf32>
        %swap3A_167 = vector.shape_cast %get3A_45 : vector<16xf32> to vector<1x16xf32>
        tpu.vector_store %arg12[%swap3A, %swap3A_164], %swap3A_167 {strides = array<i32>} : memref<325x128xf32, #tpu.memory_space<vmem>>, vector<1x16xf32>,
        %add3A_168 = arith.constant 0 : i32
        %add3A_169 = arith.addi %mul3A_161, %add3A_168 : i32
        %swap3A_170 = arith.index_cast %add3A_169 : i32 to index
        %swap3A_171 = arith.constant 80 : index
        %swap3A_172 = tpu.vector_load %arg12[%swap3A_170, %swap3A_171] {strides = array<i32>} : memref<325x128xf32, #tpu.memory_space<vmem>>, vector<1x16xf32>,
        %swap3A_173 = vector.shape_cast %swap3A_172 : vector<1x16xf32> to vector<16xf32>
        %swap3A_174 = vector.shape_cast %get3A_49 : vector<16xf32> to vector<1x16xf32>
        tpu.vector_store %arg12[%swap3A_170, %swap3A_171], %swap3A_174 {strides = array<i32>} : memref<325x128xf32, #tpu.memory_space<vmem>>, vector<1x16xf32>,
        %add3A_175 = arith.constant 0 : i32
        %add3A_176 = arith.addi %mul3A_161, %add3A_175 : i32
        %swap3A_177 = arith.index_cast %add3A_176 : i32 to index
        %swap3A_178 = arith.constant 96 : index
        %swap3A_179 = tpu.vector_load %arg12[%swap3A_177, %swap3A_178] {strides = array<i32>} : memref<325x128xf32, #tpu.memory_space<vmem>>, vector<1x16xf32>,
        %swap3A_180 = vector.shape_cast %swap3A_179 : vector<1x16xf32> to vector<16xf32>
        %swap3A_181 = vector.shape_cast %get3A_53 : vector<16xf32> to vector<1x16xf32>
        tpu.vector_store %arg12[%swap3A_177, %swap3A_178], %swap3A_181 {strides = array<i32>} : memref<325x128xf32, #tpu.memory_space<vmem>>, vector<1x16xf32>,
        %add3A_182 = arith.constant 0 : i32
        %add3A_183 = arith.addi %mul3A_161, %add3A_182 : i32
        %swap3A_184 = arith.index_cast %add3A_183 : i32 to index
        %swap3A_185 = arith.constant 112 : index
        %swap3A_186 = tpu.vector_load %arg12[%swap3A_184, %swap3A_185] {strides = array<i32>} : memref<325x128xf32, #tpu.memory_space<vmem>>, vector<1x16xf32>,
        %swap3A_187 = vector.shape_cast %swap3A_186 : vector<1x16xf32> to vector<16xf32>
        %swap3A_188 = vector.shape_cast %get3A_57 : vector<16xf32> to vector<1x16xf32>
        tpu.vector_store %arg12[%swap3A_184, %swap3A_185], %swap3A_188 {strides = array<i32>} : memref<325x128xf32, #tpu.memory_space<vmem>>, vector<1x16xf32>,
        %add3A_189 = arith.constant 1 : i32
        %add3A_190 = arith.addi %mul3A_161, %add3A_189 : i32
        %swap3A_191 = arith.index_cast %add3A_190 : i32 to index
        %swap3A_192 = arith.constant 64 : index
        %swap3A_193 = tpu.vector_load %arg12[%swap3A_191, %swap3A_192] {strides = array<i32>} : memref<325x128xf32, #tpu.memory_space<vmem>>, vector<1x16xf32>,
        %swap3A_194 = vector.shape_cast %swap3A_193 : vector<1x16xf32> to vector<16xf32>
        %swap3A_195 = vector.shape_cast %get3A_45 : vector<16xf32> to vector<1x16xf32>
        tpu.vector_store %arg12[%swap3A_191, %swap3A_192], %swap3A_195 {strides = array<i32>} : memref<325x128xf32, #tpu.memory_space<vmem>>, vector<1x16xf32>,
        %add3A_196 = arith.constant 1 : i32
        %add3A_197 = arith.addi %mul3A_161, %add3A_196 : i32
        %swap3A_198 = arith.index_cast %add3A_197 : i32 to index
        %swap3A_199 = arith.constant 80 : index
        %swap3A_200 = tpu.vector_load %arg12[%swap3A_198, %swap3A_199] {strides = array<i32>} : memref<325x128xf32, #tpu.memory_space<vmem>>, vector<1x16xf32>,
        %swap3A_201 = vector.shape_cast %swap3A_200 : vector<1x16xf32> to vector<16xf32>
        %swap3A_202 = vector.shape_cast %get3A_49 : vector<16xf32> to vector<1x16xf32>
        tpu.vector_store %arg12[%swap3A_198, %swap3A_199], %swap3A_202 {strides = array<i32>} : memref<325x128xf32, #tpu.memory_space<vmem>>, vector<1x16xf32>,
        %add3A_203 = arith.constant 1 : i32
        %add3A_204 = arith.addi %mul3A_161, %add3A_203 : i32
        %swap3A_205 = arith.index_cast %add3A_204 : i32 to index
        %swap3A_206 = arith.constant 96 : index
        %swap3A_207 = tpu.vector_load %arg12[%swap3A_205, %swap3A_206] {strides = array<i32>} : memref<325x128xf32, #tpu.memory_space<vmem>>, vector<1x16xf32>,
        %swap3A_208 = vector.shape_cast %swap3A_207 : vector<1x16xf32> to vector<16xf32>
        %swap3A_209 = vector.shape_cast %get3A_53 : vector<16xf32> to vector<1x16xf32>
        tpu.vector_store %arg12[%swap3A_205, %swap3A_206], %swap3A_209 {strides = array<i32>} : memref<325x128xf32, #tpu.memory_space<vmem>>, vector<1x16xf32>,
        %add3A_210 = arith.constant 1 : i32
        %add3A_211 = arith.addi %mul3A_161, %add3A_210 : i32
        %swap3A_212 = arith.index_cast %add3A_211 : i32 to index
        %swap3A_213 = arith.constant 112 : index
        %swap3A_214 = tpu.vector_load %arg12[%swap3A_212, %swap3A_213] {strides = array<i32>} : memref<325x128xf32, #tpu.memory_space<vmem>>, vector<1x16xf32>,
        %swap3A_215 = vector.shape_cast %swap3A_214 : vector<1x16xf32> to vector<16xf32>
        %swap3A_216 = vector.shape_cast %get3A_57 : vector<16xf32> to vector<1x16xf32>
        tpu.vector_store %arg12[%swap3A_212, %swap3A_213], %swap3A_216 {strides = array<i32>} : memref<325x128xf32, #tpu.memory_space<vmem>>, vector<1x16xf32>,
        %add3A_217 = arith.constant 2 : i32
        %add3A_218 = arith.addi %mul3A_161, %add3A_217 : i32
        %swap3A_219 = arith.index_cast %add3A_218 : i32 to index
        %swap3A_220 = arith.constant 64 : index
        %swap3A_221 = tpu.vector_load %arg12[%swap3A_219, %swap3A_220] {strides = array<i32>} : memref<325x128xf32, #tpu.memory_space<vmem>>, vector<1x16xf32>,
        %swap3A_222 = vector.shape_cast %swap3A_221 : vector<1x16xf32> to vector<16xf32>
        %swap3A_223 = vector.shape_cast %get3A_45 : vector<16xf32> to vector<1x16xf32>
        tpu.vector_store %arg12[%swap3A_219, %swap3A_220], %swap3A_223 {strides = array<i32>} : memref<325x128xf32, #tpu.memory_space<vmem>>, vector<1x16xf32>,
        %add3A_224 = arith.constant 2 : i32
        %add3A_225 = arith.addi %mul3A_161, %add3A_224 : i32
        %swap3A_226 = arith.index_cast %add3A_225 : i32 to index
        %swap3A_227 = arith.constant 80 : index
        %swap3A_228 = tpu.vector_load %arg12[%swap3A_226, %swap3A_227] {strides = array<i32>} : memref<325x128xf32, #tpu.memory_space<vmem>>, vector<1x16xf32>,
        %swap3A_229 = vector.shape_cast %swap3A_228 : vector<1x16xf32> to vector<16xf32>
        %swap3A_230 = vector.shape_cast %get3A_49 : vector<16xf32> to vector<1x16xf32>
        tpu.vector_store %arg12[%swap3A_226, %swap3A_227], %swap3A_230 {strides = array<i32>} : memref<325x128xf32, #tpu.memory_space<vmem>>, vector<1x16xf32>,
        %add3A_231 = arith.constant 2 : i32
        %add3A_232 = arith.addi %mul3A_161, %add3A_231 : i32
        %swap3A_233 = arith.index_cast %add3A_232 : i32 to index
        %swap3A_234 = arith.constant 96 : index
        %swap3A_235 = tpu.vector_load %arg12[%swap3A_233, %swap3A_234] {strides = array<i32>} : memref<325x128xf32, #tpu.memory_space<vmem>>, vector<1x16xf32>,
        %swap3A_236 = vector.shape_cast %swap3A_235 : vector<1x16xf32> to vector<16xf32>
        %swap3A_237 = vector.shape_cast %get3A_53 : vector<16xf32> to vector<1x16xf32>
        tpu.vector_store %arg12[%swap3A_233, %swap3A_234], %swap3A_237 {strides = array<i32>} : memref<325x128xf32, #tpu.memory_space<vmem>>, vector<1x16xf32>,
        %add3A_238 = arith.constant 2 : i32
        %add3A_239 = arith.addi %mul3A_161, %add3A_238 : i32
        %swap3A_240 = arith.index_cast %add3A_239 : i32 to index
        %swap3A_241 = arith.constant 112 : index
        %swap3A_242 = tpu.vector_load %arg12[%swap3A_240, %swap3A_241] {strides = array<i32>} : memref<325x128xf32, #tpu.memory_space<vmem>>, vector<1x16xf32>,
        %swap3A_243 = vector.shape_cast %swap3A_242 : vector<1x16xf32> to vector<16xf32>
        %swap3A_244 = vector.shape_cast %get3A_57 : vector<16xf32> to vector<1x16xf32>
        tpu.vector_store %arg12[%swap3A_240, %swap3A_241], %swap3A_244 {strides = array<i32>} : memref<325x128xf32, #tpu.memory_space<vmem>>, vector<1x16xf32>,
        %add3A_245 = arith.constant 3 : i32
        %add3A_246 = arith.addi %mul3A_161, %add3A_245 : i32
        %swap3A_247 = arith.index_cast %add3A_246 : i32 to index
        %swap3A_248 = arith.constant 64 : index
        %swap3A_249 = tpu.vector_load %arg12[%swap3A_247, %swap3A_248] {strides = array<i32>} : memref<325x128xf32, #tpu.memory_space<vmem>>, vector<1x16xf32>,
        %swap3A_250 = vector.shape_cast %swap3A_249 : vector<1x16xf32> to vector<16xf32>
        %swap3A_251 = vector.shape_cast %get3A_45 : vector<16xf32> to vector<1x16xf32>
        tpu.vector_store %arg12[%swap3A_247, %swap3A_248], %swap3A_251 {strides = array<i32>} : memref<325x128xf32, #tpu.memory_space<vmem>>, vector<1x16xf32>,
        %add3A_252 = arith.constant 3 : i32
        %add3A_253 = arith.addi %mul3A_161, %add3A_252 : i32
        %swap3A_254 = arith.index_cast %add3A_253 : i32 to index
        %swap3A_255 = arith.constant 80 : index
        %swap3A_256 = tpu.vector_load %arg12[%swap3A_254, %swap3A_255] {strides = array<i32>} : memref<325x128xf32, #tpu.memory_space<vmem>>, vector<1x16xf32>,
        %swap3A_257 = vector.shape_cast %swap3A_256 : vector<1x16xf32> to vector<16xf32>
        %swap3A_258 = vector.shape_cast %get3A_49 : vector<16xf32> to vector<1x16xf32>
        tpu.vector_store %arg12[%swap3A_254, %swap3A_255], %swap3A_258 {strides = array<i32>} : memref<325x128xf32, #tpu.memory_space<vmem>>, vector<1x16xf32>,
        %add3A_259 = arith.constant 3 : i32
        %add3A_260 = arith.addi %mul3A_161, %add3A_259 : i32
        %swap3A_261 = arith.index_cast %add3A_260 : i32 to index
        %swap3A_262 = arith.constant 96 : index
        %swap3A_263 = tpu.vector_load %arg12[%swap3A_261, %swap3A_262] {strides = array<i32>} : memref<325x128xf32, #tpu.memory_space<vmem>>, vector<1x16xf32>,
        %swap3A_264 = vector.shape_cast %swap3A_263 : vector<1x16xf32> to vector<16xf32>
        %swap3A_265 = vector.shape_cast %get3A_53 : vector<16xf32> to vector<1x16xf32>
        tpu.vector_store %arg12[%swap3A_261, %swap3A_262], %swap3A_265 {strides = array<i32>} : memref<325x128xf32, #tpu.memory_space<vmem>>, vector<1x16xf32>,
        %add3A_266 = arith.constant 3 : i32
        %add3A_267 = arith.addi %mul3A_161, %add3A_266 : i32
        %swap3A_268 = arith.index_cast %add3A_267 : i32 to index
        %swap3A_269 = arith.constant 112 : index
        %swap3A_270 = tpu.vector_load %arg12[%swap3A_268, %swap3A_269] {strides = array<i32>} : memref<325x128xf32, #tpu.memory_space<vmem>>, vector<1x16xf32>,
        %swap3A_271 = vector.shape_cast %swap3A_270 : vector<1x16xf32> to vector<16xf32>
        %swap3A_272 = vector.shape_cast %get3A_57 : vector<16xf32> to vector<1x16xf32>
        tpu.vector_store %arg12[%swap3A_268, %swap3A_269], %swap3A_272 {strides = array<i32>} : memref<325x128xf32, #tpu.memory_space<vmem>>, vector<1x16xf32>,
        %add3A_273 = arith.constant 4 : i32
        %add3A_274 = arith.addi %mul3A_161, %add3A_273 : i32
        %swap3A_275 = arith.index_cast %add3A_274 : i32 to index
        %swap3A_276 = arith.constant 64 : index
        %swap3A_277 = tpu.vector_load %arg12[%swap3A_275, %swap3A_276] {strides = array<i32>} : memref<325x128xf32, #tpu.memory_space<vmem>>, vector<1x16xf32>,
        %swap3A_278 = vector.shape_cast %swap3A_277 : vector<1x16xf32> to vector<16xf32>
        %swap3A_279 = vector.shape_cast %get3A_45 : vector<16xf32> to vector<1x16xf32>
        tpu.vector_store %arg12[%swap3A_275, %swap3A_276], %swap3A_279 {strides = array<i32>} : memref<325x128xf32, #tpu.memory_space<vmem>>, vector<1x16xf32>,
        %add3A_280 = arith.constant 4 : i32
        %add3A_281 = arith.addi %mul3A_161, %add3A_280 : i32
        %swap3A_282 = arith.index_cast %add3A_281 : i32 to index
        %swap3A_283 = arith.constant 80 : index
        %swap3A_284 = tpu.vector_load %arg12[%swap3A_282, %swap3A_283] {strides = array<i32>} : memref<325x128xf32, #tpu.memory_space<vmem>>, vector<1x16xf32>,
        %swap3A_285 = vector.shape_cast %swap3A_284 : vector<1x16xf32> to vector<16xf32>
        %swap3A_286 = vector.shape_cast %get3A_49 : vector<16xf32> to vector<1x16xf32>
        tpu.vector_store %arg12[%swap3A_282, %swap3A_283], %swap3A_286 {strides = array<i32>} : memref<325x128xf32, #tpu.memory_space<vmem>>, vector<1x16xf32>,
        %add3A_287 = arith.constant 4 : i32
        %add3A_288 = arith.addi %mul3A_161, %add3A_287 : i32
        %swap3A_289 = arith.index_cast %add3A_288 : i32 to index
        %swap3A_290 = arith.constant 96 : index
        %swap3A_291 = tpu.vector_load %arg12[%swap3A_289, %swap3A_290] {strides = array<i32>} : memref<325x128xf32, #tpu.memory_space<vmem>>, vector<1x16xf32>,
        %swap3A_292 = vector.shape_cast %swap3A_291 : vector<1x16xf32> to vector<16xf32>
        %swap3A_293 = vector.shape_cast %get3A_53 : vector<16xf32> to vector<1x16xf32>
        tpu.vector_store %arg12[%swap3A_289, %swap3A_290], %swap3A_293 {strides = array<i32>} : memref<325x128xf32, #tpu.memory_space<vmem>>, vector<1x16xf32>,
        %add3A_294 = arith.constant 4 : i32
        %add3A_295 = arith.addi %mul3A_161, %add3A_294 : i32
        %swap3A_296 = arith.index_cast %add3A_295 : i32 to index
        %swap3A_297 = arith.constant 112 : index
        %swap3A_298 = tpu.vector_load %arg12[%swap3A_296, %swap3A_297] {strides = array<i32>} : memref<325x128xf32, #tpu.memory_space<vmem>>, vector<1x16xf32>,
        %swap3A_299 = vector.shape_cast %swap3A_298 : vector<1x16xf32> to vector<16xf32>
        %swap3A_300 = vector.shape_cast %get3A_57 : vector<16xf32> to vector<1x16xf32>
        tpu.vector_store %arg12[%swap3A_296, %swap3A_297], %swap3A_300 {strides = array<i32>} : memref<325x128xf32, #tpu.memory_space<vmem>>, vector<1x16xf32>,
      }
      %scan3A_63 = arith.constant 65 : i32
      %add3A_64 = arith.addi %mul3A_2, %mul3A_40 : i32
      %jit3A = arith.constant 12 : i32
      %div3A = arith.divsi %add3A_64, %jit3A : i32
      %sign3A = arith.constant 0 : i32
      %sign3A_65 = arith.cmpi sgt, %add3A_64, %sign3A : i32
      %sign3A_66 = arith.extui %sign3A_65 : i1 to i32
      %sign3A_67 = arith.constant 0 : i32
      %sign3A_68 = arith.cmpi slt, %add3A_64, %sign3A_67 : i32
      %sign3A_69 = arith.extui %sign3A_68 : i1 to i32
      %sign3A_70 = arith.subi %sign3A_66, %sign3A_69 : i32
      %sign3A_71 = arith.constant 0 : i32
      %sign3A_72 = arith.cmpi sgt, %jit3A, %sign3A_71 : i32
      %sign3A_73 = arith.extui %sign3A_72 : i1 to i32
      %sign3A_74 = arith.constant 0 : i32
      %sign3A_75 = arith.cmpi slt, %jit3A, %sign3A_74 : i32
      %sign3A_76 = arith.extui %sign3A_75 : i1 to i32
      %sign3A_77 = arith.subi %sign3A_73, %sign3A_76 : i32
      %ne3A = arith.cmpi ne, %sign3A_70, %sign3A_77 : i32
      %rem3A = arith.remsi %add3A_64, %jit3A : i32
      %ne3A_78 = arith.constant 0 : i32
      %ne3A_79 = arith.cmpi ne, %rem3A, %ne3A_78 : i32
      %and3A = arith.andi %ne3A, %ne3A_79 : i1
      %sub3A = arith.constant 1 : i32
      %sub3A_80 = arith.subi %div3A, %sub3A : i32
      %select_n3A = arith.select %and3A, %sub3A_80, %div3A : i32
      %mul3A_81 = arith.constant 12 : i32
      %mul3A_82 = arith.muli %select_n3A, %mul3A_81 : i32
      %sub3A_83 = arith.subi %add3A_64, %mul3A_82 : i32
      %dma_start3A_84 = arith.constant 0 : i32
      %dma_start3A_85 = arith.constant 0 : i32
      %dma_start3A_86 = tpu.memref_slice %arg7[%select_n3A, %sub3A_83, %dma_start3A_84, %dma_start3A_85] : memref<64x12x325x128xf32, #tpu.memory_space<hbm>> -> memref<1x1x325x128xf32, #tpu.memory_space<hbm>>
      %dma_start3A_87 = tpu.memref_squeeze %dma_start3A_86 : memref<1x1x325x128xf32, #tpu.memory_space<hbm>> -> memref<325x128xf32, #tpu.memory_space<hbm>>
      %dma_start3A_88 = arith.constant 0 : i32
      %dma_start3A_89 = arith.constant 0 : i32
      %dma_start3A_90 = tpu.memref_slice %arg7[%select_n3A, %sub3A_83, %dma_start3A_88, %dma_start3A_89] : memref<64x12x325x128xf32, #tpu.memory_space<hbm>> -> memref<1x1x325x128xf32, #tpu.memory_space<hbm>>
      %dma_start3A_91 = tpu.memref_squeeze %dma_start3A_90 : memref<1x1x325x128xf32, #tpu.memory_space<hbm>> -> memref<325x128xf32, #tpu.memory_space<hbm>>
      tpu.enqueue_dma source(%arg12 : memref<325x128xf32, #tpu.memory_space<vmem>>) target(%dma_start3A_91 : memref<325x128xf32, #tpu.memory_space<hbm>>) target_semaphore(%arg14 : memref<!tpu.dma_semaphore, #tpu.memory_space<semaphore_mem>>)
      %gt3A_92 = arith.constant 0 : i32
      %gt3A_93 = arith.cmpi sgt, %scan3A_38, %gt3A_92 : i32
      %convert_element_type3A_94 = arith.extui %gt3A_93 : i1 to i32
      %cond3A_95 = arith.constant 0 : i32
      %cond3A_96 = arith.cmpi ne, %convert_element_type3A_94, %cond3A_95 : i32
      scf.if %cond3A_96 {
        %dma_wait3A_159 = arith.constant 0 : i32
        %dma_wait3A_160 = arith.constant 0 : i32
        %dma_wait3A_161 = arith.constant 0 : i32
        %dma_wait3A_162 = arith.constant 0 : i32
        %dma_wait3A_163 = tpu.memref_slice %arg7[%dma_wait3A_159, %dma_wait3A_160, %dma_wait3A_161, %dma_wait3A_162] : memref<64x12x325x128xf32, #tpu.memory_space<hbm>> -> memref<1x1x325x128xf32, #tpu.memory_space<hbm>>
        %dma_wait3A_164 = tpu.memref_squeeze %dma_wait3A_163 : memref<1x1x325x128xf32, #tpu.memory_space<hbm>> -> memref<325x128xf32, #tpu.memory_space<hbm>>
        %dma_wait3A_165 = arith.constant 0 : i32
        %dma_wait3A_166 = arith.constant 0 : i32
        %dma_wait3A_167 = tpu.memref_slice %arg7[%dma_wait3A_159, %dma_wait3A_160, %dma_wait3A_165, %dma_wait3A_166] : memref<64x12x325x128xf32, #tpu.memory_space<hbm>> -> memref<1x1x325x128xf32, #tpu.memory_space<hbm>>
        %dma_wait3A_168 = tpu.memref_squeeze %dma_wait3A_167 : memref<1x1x325x128xf32, #tpu.memory_space<hbm>> -> memref<325x128xf32, #tpu.memory_space<hbm>>
        tpu.wait_dma2 semaphore(%arg15 : memref<!tpu.dma_semaphore, #tpu.memory_space<semaphore_mem>>) src(%arg13 : memref<325x128xf32, #tpu.memory_space<vmem>>) dst(%dma_wait3A_168 : memref<325x128xf32, #tpu.memory_space<hbm>>)
      } else {
      }
      %add3A_97 = arith.constant 1 : i32
      %add3A_98 = arith.addi %mul3A_40, %add3A_97 : i32
      %get3A_99 = arith.index_cast %add3A_98 : i32 to index
      %get3A_100 = arith.constant 0 : index
      %get3A_101 = tpu.vector_load %arg10[%get3A_99, %get3A_100] {strides = array<i32>} : memref<24x128xf32, #tpu.memory_space<vmem>>, vector<1x16xf32>,
      %get3A_102 = vector.shape_cast %get3A_101 : vector<1x16xf32> to vector<16xf32>
      %get3A_103 = arith.index_cast %add3A_98 : i32 to index
      %get3A_104 = arith.constant 16 : index
      %get3A_105 = tpu.vector_load %arg10[%get3A_103, %get3A_104] {strides = array<i32>} : memref<24x128xf32, #tpu.memory_space<vmem>>, vector<1x16xf32>,
      %get3A_106 = vector.shape_cast %get3A_105 : vector<1x16xf32> to vector<16xf32>
      %get3A_107 = arith.index_cast %add3A_98 : i32 to index
      %get3A_108 = arith.constant 0 : index
      %get3A_109 = tpu.vector_load %arg11[%get3A_107, %get3A_108] {strides = array<i32>} : memref<24x128xf32, #tpu.memory_space<vmem>>, vector<1x16xf32>,
      %get3A_110 = vector.shape_cast %get3A_109 : vector<1x16xf32> to vector<16xf32>
      %get3A_111 = arith.index_cast %add3A_98 : i32 to index
      %get3A_112 = arith.constant 16 : index
      %get3A_113 = tpu.vector_load %arg11[%get3A_111, %get3A_112] {strides = array<i32>} : memref<24x128xf32, #tpu.memory_space<vmem>>, vector<1x16xf32>,
      %get3A_114 = vector.shape_cast %get3A_113 : vector<1x16xf32> to vector<16xf32>
      %scan3A_115 = arith.constant 0 : i32
      %scan3A_116 = arith.constant 0 : i32
      %scan3A_117 = arith.constant 65 : i32
      %scan3A_118 = arith.addi %scan3A_116, %scan3A_117 : i32
      %scan3A_119 = arith.constant 1 : i32
      scf.for %scan3A_159 = %scan3A_116 to %scan3A_118 step %scan3A_119  : i32 {
        %mul3A_160 = arith.constant 5 : i32
        %mul3A_161 = arith.muli %scan3A_159, %mul3A_160 : i32
        %add3A_162 = arith.constant 0 : i32
        %add3A_163 = arith.addi %mul3A_161, %add3A_162 : i32
        %swap3A = arith.index_cast %add3A_163 : i32 to index
        %swap3A_164 = arith.constant 64 : index
        %swap3A_165 = tpu.vector_load %arg13[%swap3A, %swap3A_164] {strides = array<i32>} : memref<325x128xf32, #tpu.memory_space<vmem>>, vector<1x16xf32>,
        %swap3A_166 = vector.shape_cast %swap3A_165 : vector<1x16xf32> to vector<16xf32>
        %swap3A_167 = vector.shape_cast %get3A_102 : vector<16xf32> to vector<1x16xf32>
        tpu.vector_store %arg13[%swap3A, %swap3A_164], %swap3A_167 {strides = array<i32>} : memref<325x128xf32, #tpu.memory_space<vmem>>, vector<1x16xf32>,
        %add3A_168 = arith.constant 0 : i32
        %add3A_169 = arith.addi %mul3A_161, %add3A_168 : i32
        %swap3A_170 = arith.index_cast %add3A_169 : i32 to index
        %swap3A_171 = arith.constant 80 : index
        %swap3A_172 = tpu.vector_load %arg13[%swap3A_170, %swap3A_171] {strides = array<i32>} : memref<325x128xf32, #tpu.memory_space<vmem>>, vector<1x16xf32>,
        %swap3A_173 = vector.shape_cast %swap3A_172 : vector<1x16xf32> to vector<16xf32>
        %swap3A_174 = vector.shape_cast %get3A_106 : vector<16xf32> to vector<1x16xf32>
        tpu.vector_store %arg13[%swap3A_170, %swap3A_171], %swap3A_174 {strides = array<i32>} : memref<325x128xf32, #tpu.memory_space<vmem>>, vector<1x16xf32>,
        %add3A_175 = arith.constant 0 : i32
        %add3A_176 = arith.addi %mul3A_161, %add3A_175 : i32
        %swap3A_177 = arith.index_cast %add3A_176 : i32 to index
        %swap3A_178 = arith.constant 96 : index
        %swap3A_179 = tpu.vector_load %arg13[%swap3A_177, %swap3A_178] {strides = array<i32>} : memref<325x128xf32, #tpu.memory_space<vmem>>, vector<1x16xf32>,
        %swap3A_180 = vector.shape_cast %swap3A_179 : vector<1x16xf32> to vector<16xf32>
        %swap3A_181 = vector.shape_cast %get3A_110 : vector<16xf32> to vector<1x16xf32>
        tpu.vector_store %arg13[%swap3A_177, %swap3A_178], %swap3A_181 {strides = array<i32>} : memref<325x128xf32, #tpu.memory_space<vmem>>, vector<1x16xf32>,
        %add3A_182 = arith.constant 0 : i32
        %add3A_183 = arith.addi %mul3A_161, %add3A_182 : i32
        %swap3A_184 = arith.index_cast %add3A_183 : i32 to index
        %swap3A_185 = arith.constant 112 : index
        %swap3A_186 = tpu.vector_load %arg13[%swap3A_184, %swap3A_185] {strides = array<i32>} : memref<325x128xf32, #tpu.memory_space<vmem>>, vector<1x16xf32>,
        %swap3A_187 = vector.shape_cast %swap3A_186 : vector<1x16xf32> to vector<16xf32>
        %swap3A_188 = vector.shape_cast %get3A_114 : vector<16xf32> to vector<1x16xf32>
        tpu.vector_store %arg13[%swap3A_184, %swap3A_185], %swap3A_188 {strides = array<i32>} : memref<325x128xf32, #tpu.memory_space<vmem>>, vector<1x16xf32>,
        %add3A_189 = arith.constant 1 : i32
        %add3A_190 = arith.addi %mul3A_161, %add3A_189 : i32
        %swap3A_191 = arith.index_cast %add3A_190 : i32 to index
        %swap3A_192 = arith.constant 64 : index
        %swap3A_193 = tpu.vector_load %arg13[%swap3A_191, %swap3A_192] {strides = array<i32>} : memref<325x128xf32, #tpu.memory_space<vmem>>, vector<1x16xf32>,
        %swap3A_194 = vector.shape_cast %swap3A_193 : vector<1x16xf32> to vector<16xf32>
        %swap3A_195 = vector.shape_cast %get3A_102 : vector<16xf32> to vector<1x16xf32>
        tpu.vector_store %arg13[%swap3A_191, %swap3A_192], %swap3A_195 {strides = array<i32>} : memref<325x128xf32, #tpu.memory_space<vmem>>, vector<1x16xf32>,
        %add3A_196 = arith.constant 1 : i32
        %add3A_197 = arith.addi %mul3A_161, %add3A_196 : i32
        %swap3A_198 = arith.index_cast %add3A_197 : i32 to index
        %swap3A_199 = arith.constant 80 : index
        %swap3A_200 = tpu.vector_load %arg13[%swap3A_198, %swap3A_199] {strides = array<i32>} : memref<325x128xf32, #tpu.memory_space<vmem>>, vector<1x16xf32>,
        %swap3A_201 = vector.shape_cast %swap3A_200 : vector<1x16xf32> to vector<16xf32>
        %swap3A_202 = vector.shape_cast %get3A_106 : vector<16xf32> to vector<1x16xf32>
        tpu.vector_store %arg13[%swap3A_198, %swap3A_199], %swap3A_202 {strides = array<i32>} : memref<325x128xf32, #tpu.memory_space<vmem>>, vector<1x16xf32>,
        %add3A_203 = arith.constant 1 : i32
        %add3A_204 = arith.addi %mul3A_161, %add3A_203 : i32
        %swap3A_205 = arith.index_cast %add3A_204 : i32 to index
        %swap3A_206 = arith.constant 96 : index
        %swap3A_207 = tpu.vector_load %arg13[%swap3A_205, %swap3A_206] {strides = array<i32>} : memref<325x128xf32, #tpu.memory_space<vmem>>, vector<1x16xf32>,
        %swap3A_208 = vector.shape_cast %swap3A_207 : vector<1x16xf32> to vector<16xf32>
        %swap3A_209 = vector.shape_cast %get3A_110 : vector<16xf32> to vector<1x16xf32>
        tpu.vector_store %arg13[%swap3A_205, %swap3A_206], %swap3A_209 {strides = array<i32>} : memref<325x128xf32, #tpu.memory_space<vmem>>, vector<1x16xf32>,
        %add3A_210 = arith.constant 1 : i32
        %add3A_211 = arith.addi %mul3A_161, %add3A_210 : i32
        %swap3A_212 = arith.index_cast %add3A_211 : i32 to index
        %swap3A_213 = arith.constant 112 : index
        %swap3A_214 = tpu.vector_load %arg13[%swap3A_212, %swap3A_213] {strides = array<i32>} : memref<325x128xf32, #tpu.memory_space<vmem>>, vector<1x16xf32>,
        %swap3A_215 = vector.shape_cast %swap3A_214 : vector<1x16xf32> to vector<16xf32>
        %swap3A_216 = vector.shape_cast %get3A_114 : vector<16xf32> to vector<1x16xf32>
        tpu.vector_store %arg13[%swap3A_212, %swap3A_213], %swap3A_216 {strides = array<i32>} : memref<325x128xf32, #tpu.memory_space<vmem>>, vector<1x16xf32>,
        %add3A_217 = arith.constant 2 : i32
        %add3A_218 = arith.addi %mul3A_161, %add3A_217 : i32
        %swap3A_219 = arith.index_cast %add3A_218 : i32 to index
        %swap3A_220 = arith.constant 64 : index
        %swap3A_221 = tpu.vector_load %arg13[%swap3A_219, %swap3A_220] {strides = array<i32>} : memref<325x128xf32, #tpu.memory_space<vmem>>, vector<1x16xf32>,
        %swap3A_222 = vector.shape_cast %swap3A_221 : vector<1x16xf32> to vector<16xf32>
        %swap3A_223 = vector.shape_cast %get3A_102 : vector<16xf32> to vector<1x16xf32>
        tpu.vector_store %arg13[%swap3A_219, %swap3A_220], %swap3A_223 {strides = array<i32>} : memref<325x128xf32, #tpu.memory_space<vmem>>, vector<1x16xf32>,
        %add3A_224 = arith.constant 2 : i32
        %add3A_225 = arith.addi %mul3A_161, %add3A_224 : i32
        %swap3A_226 = arith.index_cast %add3A_225 : i32 to index
        %swap3A_227 = arith.constant 80 : index
        %swap3A_228 = tpu.vector_load %arg13[%swap3A_226, %swap3A_227] {strides = array<i32>} : memref<325x128xf32, #tpu.memory_space<vmem>>, vector<1x16xf32>,
        %swap3A_229 = vector.shape_cast %swap3A_228 : vector<1x16xf32> to vector<16xf32>
        %swap3A_230 = vector.shape_cast %get3A_106 : vector<16xf32> to vector<1x16xf32>
        tpu.vector_store %arg13[%swap3A_226, %swap3A_227], %swap3A_230 {strides = array<i32>} : memref<325x128xf32, #tpu.memory_space<vmem>>, vector<1x16xf32>,
        %add3A_231 = arith.constant 2 : i32
        %add3A_232 = arith.addi %mul3A_161, %add3A_231 : i32
        %swap3A_233 = arith.index_cast %add3A_232 : i32 to index
        %swap3A_234 = arith.constant 96 : index
        %swap3A_235 = tpu.vector_load %arg13[%swap3A_233, %swap3A_234] {strides = array<i32>} : memref<325x128xf32, #tpu.memory_space<vmem>>, vector<1x16xf32>,
        %swap3A_236 = vector.shape_cast %swap3A_235 : vector<1x16xf32> to vector<16xf32>
        %swap3A_237 = vector.shape_cast %get3A_110 : vector<16xf32> to vector<1x16xf32>
        tpu.vector_store %arg13[%swap3A_233, %swap3A_234], %swap3A_237 {strides = array<i32>} : memref<325x128xf32, #tpu.memory_space<vmem>>, vector<1x16xf32>,
        %add3A_238 = arith.constant 2 : i32
        %add3A_239 = arith.addi %mul3A_161, %add3A_238 : i32
        %swap3A_240 = arith.index_cast %add3A_239 : i32 to index
        %swap3A_241 = arith.constant 112 : index
        %swap3A_242 = tpu.vector_load %arg13[%swap3A_240, %swap3A_241] {strides = array<i32>} : memref<325x128xf32, #tpu.memory_space<vmem>>, vector<1x16xf32>,
        %swap3A_243 = vector.shape_cast %swap3A_242 : vector<1x16xf32> to vector<16xf32>
        %swap3A_244 = vector.shape_cast %get3A_114 : vector<16xf32> to vector<1x16xf32>
        tpu.vector_store %arg13[%swap3A_240, %swap3A_241], %swap3A_244 {strides = array<i32>} : memref<325x128xf32, #tpu.memory_space<vmem>>, vector<1x16xf32>,
        %add3A_245 = arith.constant 3 : i32
        %add3A_246 = arith.addi %mul3A_161, %add3A_245 : i32
        %swap3A_247 = arith.index_cast %add3A_246 : i32 to index
        %swap3A_248 = arith.constant 64 : index
        %swap3A_249 = tpu.vector_load %arg13[%swap3A_247, %swap3A_248] {strides = array<i32>} : memref<325x128xf32, #tpu.memory_space<vmem>>, vector<1x16xf32>,
        %swap3A_250 = vector.shape_cast %swap3A_249 : vector<1x16xf32> to vector<16xf32>
        %swap3A_251 = vector.shape_cast %get3A_102 : vector<16xf32> to vector<1x16xf32>
        tpu.vector_store %arg13[%swap3A_247, %swap3A_248], %swap3A_251 {strides = array<i32>} : memref<325x128xf32, #tpu.memory_space<vmem>>, vector<1x16xf32>,
        %add3A_252 = arith.constant 3 : i32
        %add3A_253 = arith.addi %mul3A_161, %add3A_252 : i32
        %swap3A_254 = arith.index_cast %add3A_253 : i32 to index
        %swap3A_255 = arith.constant 80 : index
        %swap3A_256 = tpu.vector_load %arg13[%swap3A_254, %swap3A_255] {strides = array<i32>} : memref<325x128xf32, #tpu.memory_space<vmem>>, vector<1x16xf32>,
        %swap3A_257 = vector.shape_cast %swap3A_256 : vector<1x16xf32> to vector<16xf32>
        %swap3A_258 = vector.shape_cast %get3A_106 : vector<16xf32> to vector<1x16xf32>
        tpu.vector_store %arg13[%swap3A_254, %swap3A_255], %swap3A_258 {strides = array<i32>} : memref<325x128xf32, #tpu.memory_space<vmem>>, vector<1x16xf32>,
        %add3A_259 = arith.constant 3 : i32
        %add3A_260 = arith.addi %mul3A_161, %add3A_259 : i32
        %swap3A_261 = arith.index_cast %add3A_260 : i32 to index
        %swap3A_262 = arith.constant 96 : index
        %swap3A_263 = tpu.vector_load %arg13[%swap3A_261, %swap3A_262] {strides = array<i32>} : memref<325x128xf32, #tpu.memory_space<vmem>>, vector<1x16xf32>,
        %swap3A_264 = vector.shape_cast %swap3A_263 : vector<1x16xf32> to vector<16xf32>
        %swap3A_265 = vector.shape_cast %get3A_110 : vector<16xf32> to vector<1x16xf32>
        tpu.vector_store %arg13[%swap3A_261, %swap3A_262], %swap3A_265 {strides = array<i32>} : memref<325x128xf32, #tpu.memory_space<vmem>>, vector<1x16xf32>,
        %add3A_266 = arith.constant 3 : i32
        %add3A_267 = arith.addi %mul3A_161, %add3A_266 : i32
        %swap3A_268 = arith.index_cast %add3A_267 : i32 to index
        %swap3A_269 = arith.constant 112 : index
        %swap3A_270 = tpu.vector_load %arg13[%swap3A_268, %swap3A_269] {strides = array<i32>} : memref<325x128xf32, #tpu.memory_space<vmem>>, vector<1x16xf32>,
        %swap3A_271 = vector.shape_cast %swap3A_270 : vector<1x16xf32> to vector<16xf32>
        %swap3A_272 = vector.shape_cast %get3A_114 : vector<16xf32> to vector<1x16xf32>
        tpu.vector_store %arg13[%swap3A_268, %swap3A_269], %swap3A_272 {strides = array<i32>} : memref<325x128xf32, #tpu.memory_space<vmem>>, vector<1x16xf32>,
        %add3A_273 = arith.constant 4 : i32
        %add3A_274 = arith.addi %mul3A_161, %add3A_273 : i32
        %swap3A_275 = arith.index_cast %add3A_274 : i32 to index
        %swap3A_276 = arith.constant 64 : index
        %swap3A_277 = tpu.vector_load %arg13[%swap3A_275, %swap3A_276] {strides = array<i32>} : memref<325x128xf32, #tpu.memory_space<vmem>>, vector<1x16xf32>,
        %swap3A_278 = vector.shape_cast %swap3A_277 : vector<1x16xf32> to vector<16xf32>
        %swap3A_279 = vector.shape_cast %get3A_102 : vector<16xf32> to vector<1x16xf32>
        tpu.vector_store %arg13[%swap3A_275, %swap3A_276], %swap3A_279 {strides = array<i32>} : memref<325x128xf32, #tpu.memory_space<vmem>>, vector<1x16xf32>,
        %add3A_280 = arith.constant 4 : i32
        %add3A_281 = arith.addi %mul3A_161, %add3A_280 : i32
        %swap3A_282 = arith.index_cast %add3A_281 : i32 to index
        %swap3A_283 = arith.constant 80 : index
        %swap3A_284 = tpu.vector_load %arg13[%swap3A_282, %swap3A_283] {strides = array<i32>} : memref<325x128xf32, #tpu.memory_space<vmem>>, vector<1x16xf32>,
        %swap3A_285 = vector.shape_cast %swap3A_284 : vector<1x16xf32> to vector<16xf32>
        %swap3A_286 = vector.shape_cast %get3A_106 : vector<16xf32> to vector<1x16xf32>
        tpu.vector_store %arg13[%swap3A_282, %swap3A_283], %swap3A_286 {strides = array<i32>} : memref<325x128xf32, #tpu.memory_space<vmem>>, vector<1x16xf32>,
        %add3A_287 = arith.constant 4 : i32
        %add3A_288 = arith.addi %mul3A_161, %add3A_287 : i32
        %swap3A_289 = arith.index_cast %add3A_288 : i32 to index
        %swap3A_290 = arith.constant 96 : index
        %swap3A_291 = tpu.vector_load %arg13[%swap3A_289, %swap3A_290] {strides = array<i32>} : memref<325x128xf32, #tpu.memory_space<vmem>>, vector<1x16xf32>,
        %swap3A_292 = vector.shape_cast %swap3A_291 : vector<1x16xf32> to vector<16xf32>
        %swap3A_293 = vector.shape_cast %get3A_110 : vector<16xf32> to vector<1x16xf32>
        tpu.vector_store %arg13[%swap3A_289, %swap3A_290], %swap3A_293 {strides = array<i32>} : memref<325x128xf32, #tpu.memory_space<vmem>>, vector<1x16xf32>,
        %add3A_294 = arith.constant 4 : i32
        %add3A_295 = arith.addi %mul3A_161, %add3A_294 : i32
        %swap3A_296 = arith.index_cast %add3A_295 : i32 to index
        %swap3A_297 = arith.constant 112 : index
        %swap3A_298 = tpu.vector_load %arg13[%swap3A_296, %swap3A_297] {strides = array<i32>} : memref<325x128xf32, #tpu.memory_space<vmem>>, vector<1x16xf32>,
        %swap3A_299 = vector.shape_cast %swap3A_298 : vector<1x16xf32> to vector<16xf32>
        %swap3A_300 = vector.shape_cast %get3A_114 : vector<16xf32> to vector<1x16xf32>
        tpu.vector_store %arg13[%swap3A_296, %swap3A_297], %swap3A_300 {strides = array<i32>} : memref<325x128xf32, #tpu.memory_space<vmem>>, vector<1x16xf32>,
      }
      %scan3A_120 = arith.constant 65 : i32
      %add3A_121 = arith.constant 1 : i32
      %add3A_122 = arith.addi %mul3A_40, %add3A_121 : i32
      %add3A_123 = arith.addi %mul3A_2, %add3A_122 : i32
      %jit3A_124 = arith.constant 12 : i32
      %div3A_125 = arith.divsi %add3A_123, %jit3A_124 : i32
      %sign3A_126 = arith.constant 0 : i32
      %sign3A_127 = arith.cmpi sgt, %add3A_123, %sign3A_126 : i32
      %sign3A_128 = arith.extui %sign3A_127 : i1 to i32
      %sign3A_129 = arith.constant 0 : i32
      %sign3A_130 = arith.cmpi slt, %add3A_123, %sign3A_129 : i32
      %sign3A_131 = arith.extui %sign3A_130 : i1 to i32
      %sign3A_132 = arith.subi %sign3A_128, %sign3A_131 : i32
      %sign3A_133 = arith.constant 0 : i32
      %sign3A_134 = arith.cmpi sgt, %jit3A_124, %sign3A_133 : i32
      %sign3A_135 = arith.extui %sign3A_134 : i1 to i32
      %sign3A_136 = arith.constant 0 : i32
      %sign3A_137 = arith.cmpi slt, %jit3A_124, %sign3A_136 : i32
      %sign3A_138 = arith.extui %sign3A_137 : i1 to i32
      %sign3A_139 = arith.subi %sign3A_135, %sign3A_138 : i32
      %ne3A_140 = arith.cmpi ne, %sign3A_132, %sign3A_139 : i32
      %rem3A_141 = arith.remsi %add3A_123, %jit3A_124 : i32
      %ne3A_142 = arith.constant 0 : i32
      %ne3A_143 = arith.cmpi ne, %rem3A_141, %ne3A_142 : i32
      %and3A_144 = arith.andi %ne3A_140, %ne3A_143 : i1
      %sub3A_145 = arith.constant 1 : i32
      %sub3A_146 = arith.subi %div3A_125, %sub3A_145 : i32
      %select_n3A_147 = arith.select %and3A_144, %sub3A_146, %div3A_125 : i32
      %mul3A_148 = arith.constant 12 : i32
      %mul3A_149 = arith.muli %select_n3A_147, %mul3A_148 : i32
      %sub3A_150 = arith.subi %add3A_123, %mul3A_149 : i32
      %dma_start3A_151 = arith.constant 0 : i32
      %dma_start3A_152 = arith.constant 0 : i32
      %dma_start3A_153 = tpu.memref_slice %arg7[%select_n3A_147, %sub3A_150, %dma_start3A_151, %dma_start3A_152] : memref<64x12x325x128xf32, #tpu.memory_space<hbm>> -> memref<1x1x325x128xf32, #tpu.memory_space<hbm>>
      %dma_start3A_154 = tpu.memref_squeeze %dma_start3A_153 : memref<1x1x325x128xf32, #tpu.memory_space<hbm>> -> memref<325x128xf32, #tpu.memory_space<hbm>>
      %dma_start3A_155 = arith.constant 0 : i32
      %dma_start3A_156 = arith.constant 0 : i32
      %dma_start3A_157 = tpu.memref_slice %arg7[%select_n3A_147, %sub3A_150, %dma_start3A_155, %dma_start3A_156] : memref<64x12x325x128xf32, #tpu.memory_space<hbm>> -> memref<1x1x325x128xf32, #tpu.memory_space<hbm>>
      %dma_start3A_158 = tpu.memref_squeeze %dma_start3A_157 : memref<1x1x325x128xf32, #tpu.memory_space<hbm>> -> memref<325x128xf32, #tpu.memory_space<hbm>>
      tpu.enqueue_dma source(%arg13 : memref<325x128xf32, #tpu.memory_space<vmem>>) target(%dma_start3A_158 : memref<325x128xf32, #tpu.memory_space<hbm>>) target_semaphore(%arg15 : memref<!tpu.dma_semaphore, #tpu.memory_space<semaphore_mem>>)
    }
    %scan3A_17 = arith.constant 12 : i32
    %dma_wait3A_18 = arith.constant 0 : i32
    %dma_wait3A_19 = arith.constant 0 : i32
    %dma_wait3A_20 = arith.constant 0 : i32
    %dma_wait3A_21 = arith.constant 0 : i32
    %dma_wait3A_22 = tpu.memref_slice %arg7[%dma_wait3A_18, %dma_wait3A_19, %dma_wait3A_20, %dma_wait3A_21] : memref<64x12x325x128xf32, #tpu.memory_space<hbm>> -> memref<1x1x325x128xf32, #tpu.memory_space<hbm>>
    %dma_wait3A_23 = tpu.memref_squeeze %dma_wait3A_22 : memref<1x1x325x128xf32, #tpu.memory_space<hbm>> -> memref<325x128xf32, #tpu.memory_space<hbm>>
    %dma_wait3A_24 = arith.constant 0 : i32
    %dma_wait3A_25 = arith.constant 0 : i32
    %dma_wait3A_26 = tpu.memref_slice %arg7[%dma_wait3A_18, %dma_wait3A_19, %dma_wait3A_24, %dma_wait3A_25] : memref<64x12x325x128xf32, #tpu.memory_space<hbm>> -> memref<1x1x325x128xf32, #tpu.memory_space<hbm>>
    %dma_wait3A_27 = tpu.memref_squeeze %dma_wait3A_26 : memref<1x1x325x128xf32, #tpu.memory_space<hbm>> -> memref<325x128xf32, #tpu.memory_space<hbm>>
    tpu.wait_dma2 semaphore(%arg14 : memref<!tpu.dma_semaphore, #tpu.memory_space<semaphore_mem>>) src(%arg12 : memref<325x128xf32, #tpu.memory_space<vmem>>) dst(%dma_wait3A_27 : memref<325x128xf32, #tpu.memory_space<hbm>>)
    %dma_wait3A_28 = arith.constant 0 : i32
    %dma_wait3A_29 = arith.constant 0 : i32
    %dma_wait3A_30 = arith.constant 0 : i32
    %dma_wait3A_31 = arith.constant 0 : i32
    %dma_wait3A_32 = tpu.memref_slice %arg7[%dma_wait3A_28, %dma_wait3A_29, %dma_wait3A_30, %dma_wait3A_31] : memref<64x12x325x128xf32, #tpu.memory_space<hbm>> -> memref<1x1x325x128xf32, #tpu.memory_space<hbm>>
    %dma_wait3A_33 = tpu.memref_squeeze %dma_wait3A_32 : memref<1x1x325x128xf32, #tpu.memory_space<hbm>> -> memref<325x128xf32, #tpu.memory_space<hbm>>
    %dma_wait3A_34 = arith.constant 0 : i32
    %dma_wait3A_35 = arith.constant 0 : i32
    %dma_wait3A_36 = tpu.memref_slice %arg7[%dma_wait3A_28, %dma_wait3A_29, %dma_wait3A_34, %dma_wait3A_35] : memref<64x12x325x128xf32, #tpu.memory_space<hbm>> -> memref<1x1x325x128xf32, #tpu.memory_space<hbm>>
    %dma_wait3A_37 = tpu.memref_squeeze %dma_wait3A_36 : memref<1x1x325x128xf32, #tpu.memory_space<hbm>> -> memref<325x128xf32, #tpu.memory_space<hbm>>
    tpu.wait_dma2 semaphore(%arg15 : memref<!tpu.dma_semaphore, #tpu.memory_space<semaphore_mem>>) src(%arg13 : memref<325x128xf32, #tpu.memory_space<vmem>>) dst(%dma_wait3A_37 : memref<325x128xf32, #tpu.memory_space<hbm>>)
    return
  }
}

</mosaic_0001>

<sc_bundles>
// kernel: kernel.3.cloned.1.call-start
scs
__scs_entry_jumppad:
0x0: {  	(pc) =	sbr.rel $0x88, $3  }
0x1: {  	(tag) =	ssettag $0x0;
	lr =	simm.s32 $0x1  }
0x2: {  	[smem:$0x3F9D] =	sst lr;
	_ =	strace $0xD0000000  }
0x3: {  	_ = 	snop  }
0x4: {  	_ = 	snop  }
0x5: {  	_ = 	snop  }
0x6: {  	_ = 	snop  }
0x7: {  	_ = 	snop  }
__scs_overlays_trampoline_lowered:
0x8: {  	[smem:$0x3FAC] =	sst s0  }
0x9: {  	[smem:$0x3FAD] =	sst s1  }
0xa: {  	[smem:$0x3FAE] =	sst s2  }
0xb: {  	[smem:$0x3FAF] =	sst s3  }
0xc: {  	[smem:$0x3FB0] =	sst s4  }
0xd: {  	[smem:$0x3FB1] =	sst s5  }
0xe: {  	[smem:$0x3FB2] =	sst s6  }
0xf: {  	[smem:$0x3FB3] =	sst s7  }
0x10: {  	[smem:$0x3FB4] =	sst s8  }
0x11: {  	[smem:$0x3FB5] =	sst s9;
	s0 =	simm.s32 @!p0 $0x0  }
0x12: {  	s1 =	sld [smem:$0x3F9B];
	s0 =	simm.s32 @p0 $0x1  }
0x13: {  	[smem:$0x3FB6] =	sst s0;
	s0 =	simm.s32 @!p1 $0x0  }
0x14: {  	s2 =	sld [smem:$0x3F9A];
	s0 =	simm.s32 @p1 $0x1  }
0x15: {  	[smem:$0x3FB7] =	sst s0;
	s0 =	simm.s32 @!p2 $0x0  }
0x16: {  	s3 =	sld [smem:$0x3FDB];
	s0 =	simm.s32 @p2 $0x1  }
0x17: {  	s4 =	simm.s32 $0x1BF5;
	[smem:$0x3FB9] =	sst s0  }
0x18: {  	s0 =	sld [smem:$0x3F9C];
	_ =	swait.ge [sflag:s4], $0x0  }
0x19: {  	s7 =	sld [smem:$0x3F9D]  }
0x1a: {  	s8 =	sadd.s32 $0xFFFFE003, lr  }
0x1b: {  	s9 =	sadd.s32 $0xFFFFFEF7, lr;
	s5 =	simm.s32 $0xFFFFFFFF;
	p2 =	slt.u32 s8, $0xFFFFF086  }
0x1c: {  	p1 =	slt.u32 s9, $0xF7A;
	s5 =	simm.s32 @!p2 $0x0  }
0x1d: {  	s5 =	simm.s32 @p1 $0x1;
	p0 =	seq.s32 s7, s2  }
0x1e: {  	s7 =	smul.u32 @!p0 $0xF7A, s2;
	p2 =	seq.s32 @!p0 s5, $0x0  }
0x1f: {  	s9 =	smul.u32 $0xF7A, s1;
	s8 =	simm.s32 @!p0 $0x1BF5;
	p2 =	por !p2, p0  }
0x20: {  	[sflag:s8] =	ssyncset.s32 @!p0 $0xFFFFF086;
	s6 =	sadd.s32 @!p0 s3, s7;
	s7 =	simm.s32 @!p0 $0x108  }
0x21: {  	s3 =	sadd.s32 s3, s9;
	s6 =	sadd.s32 @!p0 $0x88, s6;
	s7 =	simm.s32 @p2 $0x1082  }
0x22: {  	[simem:s7], [sflag:s8] =	dma.local @!p0 [hbm:s6], $0xF7A  }
0x23: {  	s9 =	sor.u32 $0xD0000000, s2;
	s6 =	simm.s32 $0x108;
	_ =	swait.ge @!p0 [sflag:s8], $0x0  }
0x24: {  	s3 =	sadd.s32 $0x88, s3;
	s6 =	simm.s32 @!p1 $0x1082;
	[sflag:s4] =	ssyncset.s32 $0xFFFFF086  }
0x25: {  	[simem:s6], [sflag:s4] =	dma.local [hbm:s3], $0xF7A  }
0x26: {  	[smem:$0x3F9D] =	sst s1;
	(tag) =	ssettag s2;
	_ =	strace s9  }
0x27: {  	s1 =	sld [smem:$0x3FAD]  }
0x28: {  	s2 =	sld [smem:$0x3FAE]  }
0x29: {  	s4 =	sld [smem:$0x3FB0]  }
0x2a: {  	p0 =	seq.s32 s5, $0x0;
	s5 =	sld [smem:$0x3FB1]  }
0x2b: {  	s6 =	sld [smem:$0x3FB2]  }
0x2c: {  	s7 =	sld [smem:$0x3FB3]  }
0x2d: {  	s3 =	simm.s32 $0x108;
	s8 =	sld [smem:$0x3FB4]  }
0x2e: {  	s3 =	simm.s32 @!p0 $0x1082;
	s9 =	sld [smem:$0x3FB5]  }
0x2f: {  	lr =	sadd.s32 s0, s3;
	s0 =	sld [smem:$0x3FAC]  }
0x30: {  	s3 =	sld [smem:$0x3FAF]  }
0x31: {  	[smem:$0x3FB8] =	sst s10  }
0x32: {  	s10 =	sld [smem:$0x3FB6];
	_ =	sdelay $0x3  }
0x33: {  	p0 =	seq.s32 s10, $0x1;
	s10 =	sld [smem:$0x3FB8];
	_ =	sdelay $0x3  }
0x34: {  	[smem:$0x3FB8] =	sst s10  }
0x35: {  	s10 =	sld [smem:$0x3FB7];
	_ =	sdelay $0x3  }
0x36: {  	p1 =	seq.s32 s10, $0x1;
	s10 =	sld [smem:$0x3FB8];
	_ =	sdelay $0x3  }
0x37: {  	[smem:$0x3FB8] =	sst s10  }
0x38: {  	s10 =	sld [smem:$0x3FB9]  }
0x39: {  	_ = 	snop;
	(pc) =	sbr.ind lr, $3  }
0x3a: {  	_ = 	snop  }
0x3b: {  	_ = 	snop  }
0x3c: {  	p2 =	seq.s32 s10, $0x1;
	s10 =	sld [smem:$0x3FB8]  }
0x3d: {  	_ =	shalt  }
0x3e: {  	_ =	shalt  }
0x3f: {  	_ =	shalt  }
0x40: {  	_ =	shalt  }
0x41: {  	_ =	shalt  }
0x42: {  	_ =	shalt  }
0x43: {  	_ =	shalt  }
0x44: {  	_ =	shalt  }
0x45: {  	_ =	shalt  }
0x46: {  	_ =	shalt  }
0x47: {  	_ =	shalt  }
0x48: {  	_ =	shalt  }
0x49: {  	_ =	shalt  }
0x4a: {  	_ =	shalt  }
0x4b: {  	_ =	shalt  }
0x4c: {  	_ =	shalt  }
0x4d: {  	_ =	shalt  }
0x4e: {  	_ =	shalt  }
0x4f: {  	_ =	shalt  }
0x50: {  	_ =	shalt  }
0x51: {  	_ =	shalt  }
0x52: {  	_ =	shalt  }
0x53: {  	_ =	shalt  }
0x54: {  	_ =	shalt  }
0x55: {  	_ =	shalt  }
0x56: {  	_ =	shalt  }
0x57: {  	_ =	shalt  }
0x58: {  	_ =	shalt  }
0x59: {  	_ =	shalt  }
0x5a: {  	_ =	shalt  }
0x5b: {  	_ =	shalt  }
0x5c: {  	_ =	shalt  }
0x5d: {  	_ =	shalt  }
0x5e: {  	_ =	shalt  }
0x5f: {  	_ =	shalt  }
0x60: {  	_ =	shalt  }
0x61: {  	_ =	shalt  }
0x62: {  	_ =	shalt  }
0x63: {  	_ =	shalt  }
0x64: {  	_ =	shalt  }
0x65: {  	_ =	shalt  }
0x66: {  	_ =	shalt  }
0x67: {  	_ =	shalt  }
0x68: {  	_ =	shalt  }
0x69: {  	_ =	shalt  }
0x6a: {  	_ =	shalt  }
0x6b: {  	_ =	shalt  }
0x6c: {  	_ =	shalt  }
0x6d: {  	_ =	shalt  }
0x6e: {  	_ =	shalt  }
0x6f: {  	_ =	shalt  }
0x70: {  	_ =	shalt  }
0x71: {  	_ =	shalt  }
0x72: {  	_ =	shalt  }
0x73: {  	_ =	shalt  }
0x74: {  	_ =	shalt  }
0x75: {  	_ =	shalt  }
0x76: {  	_ =	shalt  }
0x77: {  	_ =	shalt  }
0x78: {  	_ =	shalt  }
0x79: {  	_ =	shalt  }
0x7a: {  	_ =	shalt  }
0x7b: {  	_ =	shalt  }
0x7c: {  	_ =	shalt  }
0x7d: {  	_ =	shalt  }
0x7e: {  	_ =	shalt  }
0x7f: {  	_ =	shalt  }
0x80: {  	_ =	shalt  }
0x81: {  	_ =	shalt  }
0x82: {  	_ =	shalt  }
0x83: {  	_ =	shalt  }
0x84: {  	_ =	shalt  }
0x85: {  	_ =	shalt  }
0x86: {  	_ =	shalt  }
0x87: {  	_ =	shalt  }
.Lfunc_end0:
.L_simem_size_0:
called_computation_lowered:
.L_overlay_start_0:
0x88: {  	s2 =	sld [smem:$0x3FD9]  }
0x89: {  	s3 =	sld [smem:$0x3FFE];
	_ =	sdelay $0x1  }
0x8a: {  	s1 =	srdreg.scid  }
0x8b: {  	s0 =	sand.u32 $0x1, s1  }
0x8c: {  	s17 =	sshll.u32 s0, $0xA;
	s2 =	sadd.s32 s3, s2  }
0x8d: {  	s2 =	sadd.s32 s2, s17  }
0x8e: {  	[smem:$0x3FC4] =	sst s2  }
0x8f: {  	_ = 	snop  }
0x90: {  	s2 =	sld [smem:$0x3FD0];
	(tm) =	ssettm $0x1  }
0x91: {  	s18 =	sld [smem:$0x3FFB];
	_ =	sdelay $0x3  }
0x92: {  	_ =	strace s18  }
0x93: {  	s3 =	sld [smem:$0x3FFC];
	_ =	sdelay $0x3  }
0x94: {  	_ =	strace s3  }
0x95: {  	s3 =	sld [smem:$0x3FFD];
	_ =	sdelay $0x3  }
0x96: {  	_ =	strace s3  }
0x97: {  	_ =	strace $0x8FFFFFFF  }
0x98: {  	s19 =	sld [smem:$0x3FDB];
	_ =	sdelay $0x1  }
0x99: {  	s4 =	simm.s32 $_scs_section_size  }
0x9a: {  	s5 =	simm.s32 $_size__tile_overlayer_lowered;
	s6 =	simm.s32 $_tile_overlayer_lowered  }
0x9b: {  	s22 =	simm.s32 $0x1BFF;
	s21 =	sshll.u32 s6, $0x1;
	s3 =	sadd.s32 s4, s19  }
0x9c: {  	s7 =	simm.s32 $0x0;
	s20 =	sshll.u32 s5, $0x1;
	s5 =	sadd.s32 s21, s3  }
0x9d: {  	[timem:s7], [sflag:s22] =	dma.local [hbm:s5], s20  }
0x9e: {  	_ =	swait.ge [sflag:s22], s20  }
0x9f: {  	s4 =	ssub.s32 $0x0, s20;
	[sflag:s22] =	ssyncset.done $0x0  }
0xa0: {  	[sflag:s22] =	ssyncadd.s32 s4;
	_ =	sdelay $0x1  }
0xa1: {  	s23 =	simm.s32 $0x1B8B  }
0xa2: {  	_ =	swait.ge [sflag:s23], $0x1  }
0xa3: {  	[sflag:s23] =	ssyncset.done $0x0  }
0xa4: {  	s25 =	simm.s32 $0x1B8E;
	s24 =	sld [smem:$0x3FFE];
	[sflag:s23] =	ssyncadd.s32 $0xFFFFFFFF  }
0xa5: {  	s26 =	simm.s32 $execute0_lowered;
	[smem:$0x3FD2] =	sst s25  }
0xa6: {  	s5 =	sshll.u32 s26, $0x1;
	_ =	strace $0x80000046;
	[dreg:$0x1] =	wrdreg $0xFFFFFFFF  }
0xa7: {  	s28 =	simm.s32 $_size_execute0_lowered;
	s3 =	sadd.s32 s3, s5;
	[dreg:$0x0] =	wrdreg $0x0  }
0xa8: {  	s5 =	sshll.u32 s28, $0x1;
	[dreg:$0x2] =	wrdreg s3  }
0xa9: {  	[dreg:$0x3] =	wrdreg s5  }
0xaa: {  	[dreg:$0x4] =	wrdreg $0xC0  }
0xab: {  	_ =	task [dreg:s7], $0x5FFFF  }
0xac: {  	[dreg:$0x1] =	wrdreg $0xFFFFFFFF  }
0xad: {  	[dreg:$0x0] =	wrdreg $0x60  }
0xae: {  	[dreg:$0x2] =	wrdreg s24  }
0xaf: {  	[dreg:$0x3] =	wrdreg s2  }
0xb0: {  	[dreg:$0x4] =	wrdreg $0x9  }
0xb1: {  	_ =	task.clear_ibuf [dreg:s7], $0x5FFFF;
	_ =	strace $0x90000046  }
0xb2: {  	s29 =	simm.s32 $0x9;
	_ =	strace $0x80000048  }
0xb3: {  	_ =	swait.ge [sflag:s29], $0x1  }
0xb4: {  	[sflag:s29] =	ssyncadd.s32 $0xFFFFFFFF  }
0xb5: {  	_ =	strace $0x90000048  }
0xb6: {  	_ =	sfence  }
0xb7: {  	s30 =	sld [smem:$0x0];
	_ =	sdelay $0x2  }
0xb8: {  	s31 =	sshll.u32 s1, $0xD;
	s1 =	sshrl.u32 s1, $0x2  }
0xb9: {  	s3 =	sand.u32 $0x4000, s31;
	s1 =	sadd.s32 s1, s30  }
0xba: {  	s0 =	sor.u32 s3, s0;
	s1 =	sshll.u32 s1, $0x11  }
0xbb: {  	s0 =	sor.u32 s1, s0  }
0xbc: {  	s0 =	sadd.s32 $0x8F2B, s0  }
0xbd: {  	[sflag:s0] =	ssyncadd.remote.s32 $0x1  }
0xbe: {  	_ =	sfence.sel $0xFFFF  }
0xbf: {  	[dreg:$0x0] =	wrdreg $0xFFFFFFFF;
	(pc) =	sbr.abs _section_cstart, $3  }
0xc0: {  	[dreg:$0x1] =	wrdreg $0xFFFFFFFF  }
0xc1: {  	_ =	task.clear_ibuf [dreg:s7], $0x2FFFF;
	_ =	strace $0x9FFFFFFF  }
0xc2: {  	(tm) =	ssettm $0x7FFFFFFF  }
0xc3: {  	_ =	shalt  }
tec
execute0_lowered:
.L_overlay_start_1:
0x0: {  	(tag) =	ssettag $0x1  }
0x1: {  	s6 =	rddreg [dreg:$0x0]  }
0x2: {  	s2 =	rddreg [dreg:$0x1]  }
0x3: {  	s0 =	rddreg [dreg:$0x2];
	s4 =	srdreg.scid  }
0x4: {  	s1 =	stileid.u32;
	s3 =	simm.s32 $0x0;
	s11 =	simm.s32 $0x4  }
0x5: {  	s12 =	simm.s32 $0x80;
	s13 =	simm.s32 $0x1900;
	s14 =	simm.s32 $0xBD00  }
0x6: {  	s15 =	simm.s32 $0x18;
	s16 =	simm.s32 $0x100;
	s17 =	simm.s32 $0xD00  }
0x7: {  	s18 =	simm.s32 $0x3;
	s19 =	simm.s32 $0x1;
	s20 =	simm.s32 $0x2  }
0x8: {  	s4 =	sand.u32 $0x1, s4;
	s5 =	sshll.u32 s1, $0x1;
	[smem:$0x7FF] =	sst s3  }
0x9: {  	s21 =	simm.s32 $0x0;
	s7 =	sor.u32 s4, s5;
	_ =	strace $0x80000047  }
0xa: {  	s8 =	ssub.s32 $0x2, s4;
	s4 =	sadd.s32 $0xA00, s6;
	s5 =	sshll.u32 s7, $0x4  }
0xb: {  	s10 =	sshrl.u32 s8, $0x1;
	s7 =	smul.u32 $0x18, s7;
	s9 =	sadd.s32 s5, s6  }
0xc: {  	s5 =	sadd.s32 $0xC00, s6;
	s6 =	sadd.s32 $0x1E00, s6;
	s10 =	ssub.s32 s8, s10  }
0xd: {  	s8 =	sadd.s32 $0x800, s9;
	s9 =	sadd.s32 $0x600, s9;
	s10 =	smax.u32 s10, $0x1  }
.LBB2_1:
0xe: {  	[tilespmem:s3], [sflag:$0x4] =	stream.linear.gather [hbm4b:s8+s3], $0x80, $0x38;
	[tilespmem:$0x16100] =	vst v63  }
0xf: {  	_ =	swait.ge [sflag:s11], $0x80  }
0x10: {  	[sflag:s11] =	ssyncset.done $0x0  }
0x11: {  	[sflag:s11] =	ssyncadd.s32 $0xFFFFFF80  }
0x12: {  	[tilespmem:s12], [sflag:$0x4] =	stream.linear.gather [hbm4b:s9+s3], $0x80, $0x38;
	[tilespmem:$0x16100] =	vst v63  }
0x13: {  	_ =	swait.ge [sflag:s11], $0x80  }
0x14: {  	[sflag:s11] =	ssyncset.done $0x0  }
0x15: {  	[sflag:s11] =	ssyncadd.s32 $0xFFFFFF80  }
0x16: {  	[tilespmem:s13], [sflag:$0x1] =	stream.linear.gather [hbm4b:s2+s3], $0xA280, $0x38;
	[tilespmem:$0x16100] =	vst v63  }
0x17: {  	_ = 	snop  }
0x18: {  	[tilespmem:s14], [sflag:$0x2] =	stream.linear.gather [hbm4b:s2+s3], $0xA280, $0x38;
	[tilespmem:$0x16100] =	vst v63  }
0x19: {  	_ = 	snop  }
0x1a: {  	[tilespmem:s16], [sflag:$0x3] =	stream.indirect.gather [hbm4b:s4+s15], $0x80, s3, s15, $0xb8;
	[tilespmem:$0x16100] =	vst v63  }
0x1b: {  	_ = 	snop  }
0x1c: {  	[tilespmem:s17], [sflag:$0x3] =	stream.indirect.gather [hbm4b:s5+s15], $0x80, s12, s15, $0xb8;
	[tilespmem:$0x16100] =	vst v63  }
0x1d: {  	_ =	swait.ge [sflag:s18], $0xC00  }
0x1e: {  	[sflag:s18] =	ssyncset.done $0x0  }
0x1f: {  	[sflag:s18] =	ssyncadd.s32 $0xFFFFF400  }
0x20: {  	_ =	swait.ge [sflag:s18], $0xC00  }
0x21: {  	[sflag:s18] =	ssyncset.done $0x0  }
0x22: {  	[sflag:s18] =	ssyncadd.s32 $0xFFFFF400  }
0x23: {  	_ =	swait.ge [sflag:s19], $0xA280  }
0x24: {  	[sflag:s19] =	ssyncset.done $0x0  }
0x25: {  	[sflag:s19] =	ssyncadd.s32 $0xFFFF5D80  }
0x26: {  	_ =	swait.ge [sflag:s20], $0xA280  }
0x27: {  	[sflag:s20] =	ssyncset.done $0x0  }
0x28: {  	s22 =	simm.s32 $0x0;
	[sflag:s20] =	ssyncadd.s32 $0xFFFF5D80  }
.LBB2_2:
0x29: {  	p0 =	seq.s32 s22, $0x0  }
0x2a: {  	s23 =	simm.s32 @!p0 $0x1  }
0x2b: {  	_ =	swait.ge @!p0 [sflag:s23], $0xA280  }
0x2c: {  	[sflag:s23] =	ssyncset.done @!p0 $0x0  }
0x2d: {  	s24 =	sshll.u32 s22, $0x8;
	[sflag:s23] =	ssyncadd.s32 @!p0 $0xFFFF5D80  }
0x2e: {  	v3 =	vld [tilespmem:s24+$0xD10]  }
0x2f: {  	v2 =	vld [tilespmem:s24+$0x100]  }
0x30: {  	v1 =	vld [tilespmem:s24+$0x110]  }
0x31: {  	v0 =	vld [tilespmem:s24+$0xD00]  }
0x32: {  	s25 =	simm.s32 $0xA00;
	s23 =	sshll.u32 s22, $0x1;
	s24 =	simm.s32 $0x0  }
.LBB2_3:
0x33: {  	p1 =	sne.s32 s25, $0x28000;
	[tilespmem:s24+$0x1B70] =	vst v3  }
0x34: {  	[tilespmem:s24+$0x1940] =	vst v2  }
0x35: {  	[tilespmem:s24+$0x1950] =	vst v1  }
0x36: {  	[tilespmem:s24+$0x1960] =	vst v0  }
0x37: {  	[tilespmem:s24+$0x1970] =	vst v3  }
0x38: {  	[tilespmem:s24+$0x19C0] =	vst v2  }
0x39: {  	[tilespmem:s24+$0x19D0] =	vst v1  }
0x3a: {  	[tilespmem:s24+$0x19E0] =	vst v0  }
0x3b: {  	[tilespmem:s24+$0x19F0] =	vst v3  }
0x3c: {  	[tilespmem:s24+$0x1A40] =	vst v2  }
0x3d: {  	[tilespmem:s24+$0x1A50] =	vst v1  }
0x3e: {  	[tilespmem:s24+$0x1A60] =	vst v0  }
0x3f: {  	[tilespmem:s24+$0x1A70] =	vst v3  }
0x40: {  	[tilespmem:s24+$0x1AC0] =	vst v2  }
0x41: {  	[tilespmem:s24+$0x1AD0] =	vst v1  }
.Ltmp0:
0x42: {  	[tilespmem:s24+$0x1AE0] =	vst v0;
	(pc) =	sbr.rel @p1 .LBB2_3-.Ltmp0, $4  }
0x43: {  	[tilespmem:s24+$0x1AF0] =	vst v3  }
0x44: {  	[tilespmem:s24+$0x1B40] =	vst v2  }
0x45: {  	[tilespmem:s24+$0x1B50] =	vst v1  }
0x46: {  	[tilespmem:s24+$0x1B60] =	vst v0;
	s24 =	sshra.s32 s25, $0x2;
	s25 =	sadd.s32 $0xA00, s25  }
0x47: {  	[tilespmem:s24+$0x1B70] =	vst v3  }
0x48: {  	[tilespmem:s24+$0x1940] =	vst v2  }
0x49: {  	[tilespmem:s24+$0x1950] =	vst v1  }
0x4a: {  	[tilespmem:s24+$0x1960] =	vst v0  }
0x4b: {  	[tilespmem:s24+$0x1970] =	vst v3  }
0x4c: {  	[tilespmem:s24+$0x19C0] =	vst v2  }
0x4d: {  	[tilespmem:s24+$0x19D0] =	vst v1  }
0x4e: {  	[tilespmem:s24+$0x19E0] =	vst v0  }
0x4f: {  	[tilespmem:s24+$0x19F0] =	vst v3;
	s25 =	sadd.s32 s7, s23  }
0x50: {  	[tilespmem:s24+$0x1A40] =	vst v2;
	s26 =	smulhi.u32 $0x2AAAAAAB, s25  }
0x51: {  	[tilespmem:s24+$0x1A50] =	vst v1  }
0x52: {  	[tilespmem:s24+$0x1A60] =	vst v0;
	s26 =	sshrl.u32 s26, $0x1  }
0x53: {  	[tilespmem:s24+$0x1A70] =	vst v3;
	s28 =	smul.u32 $0xFFFFFFF4, s26  }
0x54: {  	[tilespmem:s24+$0x1AC0] =	vst v2  }
0x55: {  	[tilespmem:s24+$0x1AD0] =	vst v1;
	s26 =	smul.u32 $0x7B000, s26;
	s25 =	sadd.s32 s25, s28  }
0x56: {  	[tilespmem:s24+$0x1AE0] =	vst v0;
	s25 =	smul.u32 $0xA400, s25  }
0x57: {  	[tilespmem:s24+$0x1AF0] =	vst v3  }
0x58: {  	[tilespmem:s24+$0x1B40] =	vst v2;
	s25 =	sadd.s32 s26, s25  }
0x59: {  	[tilespmem:s24+$0x1B50] =	vst v1;
	s25 =	sshrl.u32 s25, $0x3  }
0x5a: {  	[tilespmem:s24+$0x1B60] =	vst v0;
	s31 =	sadd.s32 s6, s25;
	s25 =	simm.s32 @!p0 $0x2  }
0x5b: {  	[hbm4b:s31+s3] =	stream.linear.scatter [tilespmem:s13], [sflag:$0x1], $0xA280, $0x38;
	[tilespmem:$0x16100] =	vst v63  }
0x5c: {  	_ =	swait.ge @!p0 [sflag:s25], $0xA280  }
0x5d: {  	s24 =	sor.u32 $0x1, s23;
	[sflag:s25] =	ssyncset.done @!p0 $0x0  }
0x5e: {  	s23 =	sshll.u32 s24, $0x7;
	[sflag:s25] =	ssyncadd.s32 @!p0 $0xFFFF5D80  }
0x5f: {  	v3 =	vld [tilespmem:s23+$0xD10]  }
0x60: {  	v2 =	vld [tilespmem:s23+$0x100]  }
0x61: {  	v1 =	vld [tilespmem:s23+$0x110]  }
0x62: {  	v0 =	vld [tilespmem:s23+$0xD00]  }
0x63: {  	s25 =	simm.s32 $0xA00;
	s23 =	simm.s32 $0x0  }
.LBB2_5:
0x64: {  	p0 =	sne.s32 s25, $0x28000;
	[tilespmem:s23+$0xBF70] =	vst v3  }
0x65: {  	[tilespmem:s23+$0xBD40] =	vst v2  }
0x66: {  	[tilespmem:s23+$0xBD50] =	vst v1  }
0x67: {  	[tilespmem:s23+$0xBD60] =	vst v0  }
0x68: {  	[tilespmem:s23+$0xBD70] =	vst v3  }
0x69: {  	[tilespmem:s23+$0xBDC0] =	vst v2  }
0x6a: {  	[tilespmem:s23+$0xBDD0] =	vst v1  }
0x6b: {  	[tilespmem:s23+$0xBDE0] =	vst v0  }
0x6c: {  	[tilespmem:s23+$0xBDF0] =	vst v3  }
0x6d: {  	[tilespmem:s23+$0xBE40] =	vst v2  }
0x6e: {  	[tilespmem:s23+$0xBE50] =	vst v1  }
0x6f: {  	[tilespmem:s23+$0xBE60] =	vst v0  }
0x70: {  	[tilespmem:s23+$0xBE70] =	vst v3  }
0x71: {  	[tilespmem:s23+$0xBEC0] =	vst v2  }
0x72: {  	[tilespmem:s23+$0xBED0] =	vst v1  }
.Ltmp1:
0x73: {  	[tilespmem:s23+$0xBEE0] =	vst v0;
	(pc) =	sbr.rel @p0 .LBB2_5-.Ltmp1, $4  }
0x74: {  	[tilespmem:s23+$0xBEF0] =	vst v3  }
0x75: {  	[tilespmem:s23+$0xBF40] =	vst v2  }
0x76: {  	[tilespmem:s23+$0xBF50] =	vst v1  }
0x77: {  	[tilespmem:s23+$0xBF60] =	vst v0;
	s23 =	sshra.s32 s25, $0x2;
	s25 =	sadd.s32 $0xA00, s25  }
0x78: {  	[tilespmem:s23+$0xBF70] =	vst v3  }
0x79: {  	[tilespmem:s23+$0xBD40] =	vst v2  }
0x7a: {  	[tilespmem:s23+$0xBD50] =	vst v1  }
0x7b: {  	[tilespmem:s23+$0xBD60] =	vst v0  }
0x7c: {  	[tilespmem:s23+$0xBD70] =	vst v3  }
0x7d: {  	[tilespmem:s23+$0xBDC0] =	vst v2  }
0x7e: {  	[tilespmem:s23+$0xBDD0] =	vst v1  }
0x7f: {  	[tilespmem:s23+$0xBDE0] =	vst v0  }
0x80: {  	[tilespmem:s23+$0xBDF0] =	vst v3;
	s24 =	sadd.s32 s7, s24  }
0x81: {  	[tilespmem:s23+$0xBE40] =	vst v2;
	s25 =	smulhi.u32 $0x2AAAAAAB, s24  }
0x82: {  	[tilespmem:s23+$0xBE50] =	vst v1  }
0x83: {  	[tilespmem:s23+$0xBE60] =	vst v0;
	s25 =	sshrl.u32 s25, $0x1  }
0x84: {  	[tilespmem:s23+$0xBE70] =	vst v3;
	s26 =	smul.u32 $0xFFFFFFF4, s25  }
0x85: {  	[tilespmem:s23+$0xBEC0] =	vst v2  }
0x86: {  	[tilespmem:s23+$0xBED0] =	vst v1;
	s22 =	sadd.s32 $0x1, s22;
	s25 =	smul.u32 $0x7B000, s25;
	s24 =	sadd.s32 s24, s26  }
0x87: {  	[tilespmem:s23+$0xBEE0] =	vst v0;
	p0 =	sne.s32 s22, $0xC;
	s24 =	smul.u32 $0xA400, s24  }
.Ltmp2:
0x88: {  	[tilespmem:s23+$0xBEF0] =	vst v3;
	(pc) =	sbr.rel @p0 .LBB2_2-.Ltmp2, $4  }
0x89: {  	[tilespmem:s23+$0xBF40] =	vst v2;
	s24 =	sadd.s32 s25, s24  }
0x8a: {  	[tilespmem:s23+$0xBF50] =	vst v1;
	s24 =	sshrl.u32 s24, $0x3  }
0x8b: {  	[tilespmem:s23+$0xBF60] =	vst v0;
	s31 =	sadd.s32 s6, s24  }
0x8c: {  	[hbm4b:s31+s3] =	stream.linear.scatter [tilespmem:s14], [sflag:$0x2], $0xA280, $0x38;
	[tilespmem:$0x16100] =	vst v63  }
0x8d: {  	s21 =	sadd.s32 $0x1, s21  }
0x8e: {  	_ =	swait.ge [sflag:s19], $0xA280;
	p0 =	sne.s32 s21, s10  }
.Ltmp3:
0x8f: {  	[sflag:s19] =	ssyncset.done $0x0;
	(pc) =	sbr.rel @p0 .LBB2_1-.Ltmp3, $4  }
0x90: {  	[sflag:s19] =	ssyncadd.s32 $0xFFFF5D80  }
0x91: {  	_ =	swait.ge [sflag:s20], $0xA280  }
0x92: {  	[sflag:s20] =	ssyncset.done $0x0  }
0x93: {  	[sflag:s20] =	ssyncadd.s32 $0xFFFF5D80  }
0x94: {  	_ =	sfence.sel $0x180000  }
0x95: {  	[bflag:$0x0] =	sbarrier.arrive $0xFFFF  }
0x96: {  	p0 =	sne.s32 s1, $0x0;
	_ =	strace $0x90000047  }
0x97: {  	s0 =	sadd.s32 @!p0 $0x100000, s0;
	[bflag:$0x2] =	sbarrier.arrive $0xFFFF  }
0x98: {  	[sflag:s0] =	ssyncadd.tile.s32 @!p0 $0x1;
	_ =	shalt  }
.Lfunc_end2:
_tile_overlayer_lowered:
.L_overlay_start_2:
0x99: {  	(tag) =	ssettag $0x2  }
0x9a: {  	s0 =	rddreg [dreg:$0x0];
	s2 =	stileid.u32  }
0x9b: {  	s1 =	rddreg [dreg:$0x1];
	p0 =	sne.s32 s2, $0x0  }
0x9c: {  	s3 =	rddreg [dreg:$0x2];
	[bflag:$0x3] =	sbarrier.arrive $0xFFFF;
	s2 =	simm.s32 @!p0 $0x1C04  }
0x9d: {  	[timem:s3], [sflag:s2] =	dma.local @!p0 [hbm:s0], s1  }
0x9e: {  	s0 =	simm.s32 @!p0 $0x4  }
0x9f: {  	_ =	swait.ge @!p0 [sflag:s0], s1  }
0xa0: {  	s1 =	ssub.s32 @!p0 $0x0, s1;
	[sflag:s0] =	ssyncset.done @!p0 $0x0  }
0xa1: {  	[sflag:s0] =	ssyncadd.s32 @!p0 s1  }
0xa2: {  	[bflag:$0x3] =	sbarrier.arrive $0xFFFF  }
0xa3: {  	_ =	shalt  }

</sc_bundles>
